<compile_context>
chip_gen: v7x
topology: tpu7x:2x2x1
jax: 0.10.2.dev20260603
libtpu: 0.0.44.dev20260713+nightly
codegen_flags: <defaults>
</compile_context>

<pallas_src>
import functools

import jax
import jax.numpy as jnp
from jax import lax
from jax.experimental import pallas as pl
from jax.experimental.pallas import tpu as pltpu
from jax.experimental.pallas import tpu_sc as plsc

EPS = 1e-5


def _softplus(x):
    return jnp.maximum(x, 0.0) + jnp.log1p(jnp.exp(-jnp.abs(x)))


def _node_proj(h, W0, b0, Wi, Wj):
    N, DIN = h.shape
    C = W0.shape[1]
    Z = Wi.shape[1]
    BN_ = 2000
    assert N % BN_ == 0

    def body(h_ref, w_ref, b_ref, wi_ref, wj_ref, o_ref, ti_ref, tj_ref):
        x = jnp.dot(h_ref[...], w_ref[...], preferred_element_type=jnp.float32)
        o = _softplus(x + b_ref[...])
        o_ref[...] = o
        ti_ref[...] = jnp.dot(o, wi_ref[...], preferred_element_type=jnp.float32)
        tj_ref[...] = jnp.dot(o, wj_ref[...], preferred_element_type=jnp.float32)

    return pl.pallas_call(
        body,
        grid=(N // BN_,),
        in_specs=[
            pl.BlockSpec((BN_, DIN), lambda i: (i, 0)),
            pl.BlockSpec((DIN, C), lambda i: (0, 0)),
            pl.BlockSpec((1, C), lambda i: (0, 0)),
            pl.BlockSpec((C, Z), lambda i: (0, 0)),
            pl.BlockSpec((C, Z), lambda i: (0, 0)),
        ],
        out_specs=[
            pl.BlockSpec((BN_, C), lambda i: (i, 0)),
            pl.BlockSpec((BN_, Z), lambda i: (i, 0)),
            pl.BlockSpec((BN_, Z), lambda i: (i, 0)),
        ],
        out_shape=[
            jax.ShapeDtypeStruct((N, C), jnp.float32),
            jax.ShapeDtypeStruct((N, Z), jnp.float32),
            jax.ShapeDtypeStruct((N, Z), jnp.float32),
        ],
    )(h, W0, b0, Wi, Wj)


def _edge_gather(ti, tj, src, dst):
    N, Z = ti.shape
    E = src.shape[0]
    NC, NS = 2, 16
    NW = NC * NS
    assert E % NW == 0
    EPW = E // NW
    K = 256
    NFULL = EPW // K
    REM = EPW - NFULL * K
    RG, RT = REM // 128, REM % 128
    NL = Z // 16

    mesh = plsc.VectorSubcoreMesh(core_axis_name="c", subcore_axis_name="s")

    @functools.partial(
        pl.kernel,
        mesh=mesh,
        out_type=jax.ShapeDtypeStruct((E, Z), jnp.float32),
        scratch_types=[
            pltpu.VMEM((2, 128), jnp.int32),
            pltpu.VMEM((2, 128), jnp.int32),
            pltpu.VMEM((K, Z), jnp.float32),
            pltpu.VMEM((K, Z), jnp.float32),
            pltpu.SemaphoreType.DMA,
        ],
    )
    def _k(ti_hbm, tj_hbm, src_hbm, dst_hbm, g_hbm, di, si, xi_v, xj_v, sem):
        wid = lax.axis_index("s") * NC + lax.axis_index("c")
        base0 = wid * EPW

        def do_group(base, j, n):
            pltpu.sync_copy(dst_hbm.at[pl.ds(base + j * 128, n)],
                            di.at[j, pl.ds(0, n)])
            pltpu.sync_copy(src_hbm.at[pl.ds(base + j * 128, n)],
                            si.at[j, pl.ds(0, n)])
            a = pltpu.async_copy(ti_hbm.at[di.at[j, pl.ds(0, n)]],
                                 xi_v.at[pl.ds(j * 128, n)], sem)
            b = pltpu.async_copy(tj_hbm.at[si.at[j, pl.ds(0, n)]],
                                 xj_v.at[pl.ds(j * 128, n)], sem)
            a.wait()
            b.wait()

        def add_rows(nrows):
            def arow(r, carry):
                for col in range(NL):
                    s = pl.ds(col * 16, 16)
                    xi_v[r, s] = xi_v[r, s] + xj_v[r, s]
                return carry
            lax.fori_loop(0, nrows, arow, 0)

        def body(i, carry):
            base = base0 + i * K
            for j in range(K // 128):
                do_group(base, j, 128)
            add_rows(K)
            pltpu.sync_copy(xi_v, g_hbm.at[pl.ds(base, K)])
            return carry

        lax.fori_loop(0, NFULL, body, 0)

        if REM:
            base = base0 + NFULL * K
            for j in range(RG):
                do_group(base, j, 128)
            if RT:
                do_group(base, RG, RT)
            add_rows(REM)
            pltpu.sync_copy(xi_v.at[pl.ds(0, REM)], g_hbm.at[pl.ds(base, REM)])

    return _k(ti, tj, src, dst)


def _edge_mlp(g, ea, We, bb):
    E, Z = g.shape
    C = Z // 2
    DE = ea.shape[1]
    H = C // 4
    BE = 2000
    assert E % BE == 0

    def body(g_ref, ea_ref, we_ref, bb_ref, m_ref):
        acc = g_ref[...] + jnp.dot(ea_ref[...], we_ref[...],
                                   preferred_element_type=jnp.float32)
        acc = acc + bb_ref[...]
        f = acc[:, :C]
        s = acc[:, C:]
        msg = (1.0 / (1.0 + jnp.exp(-f))) * _softplus(s)
        for q in range(4):
            m_ref[q] = msg[:, q * H:(q + 1) * H]

    return pl.pallas_call(
        body,
        grid=(E // BE,),
        in_specs=[
            pl.BlockSpec((BE, Z), lambda i: (i, 0)),
            pl.BlockSpec((BE, DE), lambda i: (i, 0)),
            pl.BlockSpec((DE, Z), lambda i: (0, 0)),
            pl.BlockSpec((1, Z), lambda i: (0, 0)),
        ],
        out_specs=pl.BlockSpec((4, BE, H), lambda i: (0, i, 0)),
        out_shape=jax.ShapeDtypeStruct((4, E, H), jnp.float32),
    )(g, ea, We, bb)


def _scatter_quarters(m_flat, dst, N):
    E = dst.shape[0]
    H = m_flat.shape[1]
    NC, NS = 2, 16
    assert E % NS == 0
    EPT = E // NS
    K = 512
    NFULL = EPT // K
    REM = EPT - NFULL * K
    RG, RT = REM // 128, REM % 128
    STRIPE = 3128
    NPAD = NS * STRIPE
    assert NPAD >= N and (NS - 1) * STRIPE < N
    LAST = N - (NS - 1) * STRIPE
    ZFULL = STRIPE // K
    ZREM = STRIPE - ZFULL * K

    mesh = plsc.VectorSubcoreMesh(core_axis_name="c", subcore_axis_name="s")

    @functools.partial(
        pl.kernel,
        mesh=mesh,
        out_type=jax.ShapeDtypeStruct((4 * NPAD, H), jnp.float32),
        scratch_types=[
            pltpu.VMEM((128,), jnp.int32),
            pltpu.VMEM((128,), jnp.int32),
            pltpu.VMEM((128,), jnp.int32),
            pltpu.VMEM((128,), jnp.int32),
            pltpu.VMEM((128,), jnp.int32),
            pltpu.VMEM((128, H), jnp.float32),
            pltpu.VMEM((128, H), jnp.float32),
            pltpu.VMEM((128, H), jnp.float32),
            pltpu.VMEM((128, H), jnp.float32),
            pltpu.VMEM_SHARED((NPAD, H), jnp.float32),
            pltpu.SemaphoreType.DMA,
        ],
    )
    def _k(m_hbm, dst_hbm, a_hbm, di0, di1, di2, di3, dz,
           u0, u1, u2, u3, acc, sem):
        dis = [di0, di1, di2, di3]
        us = [u0, u1, u2, u3]
        c = lax.axis_index("c")
        sid = lax.axis_index("s")

        zv = jnp.zeros((16,), jnp.float32)
        r0 = sid * STRIPE
        ZB = STRIPE // 128
        ZT = STRIPE - ZB * 128

        def set_iota_row(base):
            for t in range(8):
                dz[pl.ds(t * 16, 16)] = (
                    lax.iota(jnp.int32, 16) + (base + t * 16))

        def zero_acc():
            def zrow(i, carry):
                u0[i, pl.ds(0, 16)] = zv
                return carry

            lax.fori_loop(0, 128, zrow, 0)
            for kb in range(ZB):
                set_iota_row(r0 + kb * 128)
                pltpu.sync_copy(u0, acc.at[dz])
            io = lax.iota(jnp.int32, 16)
            for t in range(3):
                dz[pl.ds(t * 16, 16)] = io + (r0 + ZB * 128 + t * 16)
            dz[pl.ds(48, 16)] = jnp.where(
                io < 8, io + (r0 + ZB * 128 + 48), io - 8 + r0)
            for t in range(4, 8):
                dz[pl.ds(t * 16, 16)] = io + (r0 + 8 + (t - 4) * 16)
            pltpu.sync_copy(u0, acc.at[dz])

        def do_scatter(q):
            base0 = sid * EPT

            def group(base, j):
                pltpu.sync_copy(dst_hbm.at[pl.ds(base + j * 128, 128)],
                                dis[j])
                pltpu.sync_copy(m_hbm.at[pl.ds(q * E + base + j * 128, 128)],
                                us[j])
                pltpu.sync_copy(us[j], acc.at[dis[j]], add=True)

            def tail_group(base, j, n):
                pltpu.sync_copy(dst_hbm.at[pl.ds(base + j * 128, n)],
                                dis[j].at[pl.ds(0, n)])
                for t in range((128 - n) // 16):
                    dis[j][pl.ds(n + t * 16, 16)] = (
                        lax.iota(jnp.int32, 16) + t * 16)
                pltpu.sync_copy(m_hbm.at[pl.ds(q * E + base + j * 128, n)],
                                us[j].at[pl.ds(0, n)])

                def zfill(r, carry):
                    us[j][r, pl.ds(0, 16)] = zv
                    return carry

                lax.fori_loop(n, 128, zfill, 0)
                pltpu.sync_copy(us[j], acc.at[dis[j]], add=True)

            def body(i, carry):
                base = base0 + i * K
                for j in range(K // 128):
                    group(base, j)
                return carry

            lax.fori_loop(0, NFULL, body, 0)

            if REM:
                base = base0 + NFULL * K
                for j in range(RG):
                    group(base, j)
                if RT:
                    tail_group(base, RG, RT)

        for rnd in range(2):
            q = c * 2 + rnd
            zero_acc()
            plsc.subcore_barrier()
            do_scatter(q)
            plsc.subcore_barrier()
            for kb in range(ZB):
                set_iota_row(r0 + kb * 128)
                pltpu.sync_copy(acc.at[dz], u0)
                pltpu.sync_copy(
                    u0, a_hbm.at[pl.ds(q * NPAD + r0 + kb * 128, 128)])
            if ZT:
                set_iota_row(r0 + ZB * 128 - (128 - ZT))
                pltpu.sync_copy(acc.at[dz], u0)
                pltpu.sync_copy(
                    u0.at[pl.ds(128 - ZT, ZT)],
                    a_hbm.at[pl.ds(q * NPAD + r0 + ZB * 128, ZT)])

    return _k(m_flat, dst)


def _bn_finish(agg, out, gamma, beta):
    N, C = out.shape
    B = 2000
    assert N % B == 0
    inv_n = 1.0 / N

    def body(a_ref, o_ref, g_ref, b_ref, res_ref, acc_ref):
        p = pl.program_id(0)
        i = pl.program_id(1)

        @pl.when((p == 0) & (i == 0))
        def _():
            acc_ref[...] = jnp.zeros_like(acc_ref)

        agg = a_ref[...]

        @pl.when(p == 0)
        def _():
            acc_ref[0, :] = acc_ref[0, :] + jnp.sum(agg, axis=0)
            acc_ref[1, :] = acc_ref[1, :] + jnp.sum(agg * agg, axis=0)
            res_ref[...] = jnp.zeros_like(res_ref)

        @pl.when(p == 1)
        def _():
            mean = acc_ref[0, :] * inv_n
            var = acc_ref[1, :] * inv_n - mean * mean
            rstd = lax.rsqrt(var + EPS)
            normed = (agg - mean[None, :]) * (rstd[None, :] * g_ref[...]) + b_ref[...]
            res_ref[...] = normed + 2.0 * o_ref[...]

    return pl.pallas_call(
        body,
        grid=(2, N // B),
        in_specs=[
            pl.BlockSpec((B, C), lambda p, i: (i, 0)),
            pl.BlockSpec((B, C), lambda p, i: (i, 0)),
            pl.BlockSpec((1, C), lambda p, i: (0, 0)),
            pl.BlockSpec((1, C), lambda p, i: (0, 0)),
        ],
        out_specs=pl.BlockSpec((B, C), lambda p, i: (i, 0)),
        out_shape=jax.ShapeDtypeStruct((N, C), jnp.float32),
        scratch_shapes=[pltpu.VMEM((2, C), jnp.float32)],
    )(agg, out, gamma, beta)


def kernel(h, edge_index, edge_weight, edge_attr, data, W0, b0, Wf, bf, Ws, bs,
           gamma, beta):
    N = h.shape[0]
    C = W0.shape[1]
    src = edge_index[0]
    dst = edge_index[1]
    Wi = jnp.concatenate([Wf[:C], Ws[:C]], axis=1)
    Wj = jnp.concatenate([Wf[C:2 * C], Ws[C:2 * C]], axis=1)
    We = jnp.concatenate([Wf[2 * C:], Ws[2 * C:]], axis=1)
    bb = jnp.concatenate([bf, bs]).reshape(1, 2 * C)
    out, ti, tj = _node_proj(h, W0, b0.reshape(1, C), Wi, Wj)
    g = _edge_gather(ti, tj, src, dst)
    m_cat = _edge_mlp(g, edge_attr, We, bb)
    msg = jnp.concatenate([m_cat[0], m_cat[1], m_cat[2], m_cat[3]], axis=1)
    agg = jax.ops.segment_sum(msg, dst, num_segments=N)
    return _bn_finish(agg, out, gamma.reshape(1, C), beta.reshape(1, C))

# --- scband reference (transcript-rebuilt; emitter-appended) ---
"""Pipeline reference for scband-interactions-79688823210320 (READ-ONLY COPY).

The authoritative reference and input builder live on the scoring server;
editing this copy changes nothing except your own understanding.
"""

import jax, jax.numpy as jnp
import numpy as np

N = 50000
E = 800000
DIN = 128
C = 64
DE = 16
EPS = 1e-5


def setup_inputs(seed: int = 0) -> dict:
    key = jax.random.key(seed)
    ks = jax.random.split(key, 12)
    h = jax.random.normal(ks[0], (N, DIN), dtype=jnp.float32)
    edge_index = jax.random.randint(ks[1], (2, E), 0, N, dtype=jnp.int32)
    edge_weight = jax.random.uniform(ks[2], (E,), dtype=jnp.float32)
    edge_attr = jax.random.normal(ks[3], (E, DE), dtype=jnp.float32)
    data = 0
    s0 = 1.0 / np.sqrt(DIN)
    W0 = jax.random.uniform(ks[4], (DIN, C), dtype=jnp.float32, minval=-s0, maxval=s0)
    b0 = jax.random.uniform(ks[5], (C,), dtype=jnp.float32, minval=-s0, maxval=s0)
    zdim = 2 * C + DE
    sz = 1.0 / np.sqrt(zdim)
    Wf = jax.random.uniform(ks[6], (zdim, C), dtype=jnp.float32, minval=-sz, maxval=sz)
    bf = jax.random.uniform(ks[7], (C,), dtype=jnp.float32, minval=-sz, maxval=sz)
    Ws = jax.random.uniform(ks[8], (zdim, C), dtype=jnp.float32, minval=-sz, maxval=sz)
    bs = jax.random.uniform(ks[9], (C,), dtype=jnp.float32, minval=-sz, maxval=sz)
    gamma = jnp.ones((C,), dtype=jnp.float32)
    beta = jnp.zeros((C,), dtype=jnp.float32)
    return {"h": h, "edge_index": edge_index, "edge_weight": edge_weight,
            "edge_attr": edge_attr, "data": data, "W0": W0, "b0": b0,
            "Wf": Wf, "bf": bf, "Ws": Ws, "bs": bs, "gamma": gamma, "beta": beta}


def reference(h, edge_index, edge_weight, edge_attr, data, W0, b0, Wf, bf, Ws, bs, gamma, beta):
    # lin0 + softplus
    out = jax.nn.softplus(h @ W0 + b0)
    # CGConv (aggr='add', batch_norm=True, training-mode BN stats)
    src = edge_index[0]  # j (source)
    dst = edge_index[1]  # i (target)
    x_i = jnp.take(out, dst, axis=0)
    x_j = jnp.take(out, src, axis=0)
    z = jnp.concatenate([x_i, x_j, edge_attr], axis=-1)
    msg = jax.nn.sigmoid(z @ Wf + bf) * jax.nn.softplus(z @ Ws + bs)
    agg = jax.ops.segment_sum(msg, dst, num_segments=out.shape[0])
    # BatchNorm1d (training mode: batch statistics, biased variance)
    mean = jnp.mean(agg, axis=0)
    var = jnp.var(agg, axis=0)
    normed = (agg - mean) / jnp.sqrt(var + EPS) * gamma + beta
    conv_out = normed + out  # residual inside CGConv
    return out + conv_out    # residual in _Interactions

if __name__ == "__main__":
    import jax
    _d = setup_inputs()
    print(jax.jit(kernel)(*tuple(_d.values())))

</pallas_src>

<mosaic_0001>
#map = affine_map<(d0, d1) -> (0, 0)>
#map1 = affine_map<(d0, d1) -> (0)>
module attributes {stable_mosaic.version = 14 : i64} {
  func.func @_k(%arg0: i32, %arg1: i32, %arg2: memref<50000x128xf32, #tpu.memory_space<hbm>>, %arg3: memref<50000x128xf32, #tpu.memory_space<hbm>>, %arg4: memref<800000xi32, #tpu.memory_space<hbm>>, %arg5: memref<800000xi32, #tpu.memory_space<hbm>>, %arg6: memref<800000x128xf32, #tpu.memory_space<hbm>>, %arg7: memref<2x128xi32, #tpu.memory_space<vmem>>, %arg8: memref<2x128xi32, #tpu.memory_space<vmem>>, %arg9: memref<256x128xf32, #tpu.memory_space<vmem>>, %arg10: memref<256x128xf32, #tpu.memory_space<vmem>>, %arg11: memref<!tpu.dma_semaphore, #tpu.memory_space<semaphore_mem>>) attributes {dimension_semantics = [#tpu.dimension_semantics<core_parallel>, #tpu.dimension_semantics<subcore_parallel>], iteration_bounds = array<i64: 2, 16>, scalar_prefetch = 0 : i64, scratch_operands = 5 : i64, tpu.core_type = #tpu.core_type<sc_vector_subcore>, window_params = [{transform_indices = #map}, {transform_indices = #map}, {transform_indices = #map1}, {transform_indices = #map1}, {transform_indices = #map}]} {
    %mul3A = arith.constant 2 : i32
    %mul3A_0 = arith.muli %arg1, %mul3A : i32
    %add3A = arith.addi %mul3A_0, %arg0 : i32
    %mul3A_1 = arith.constant 25000 : i32
    %mul3A_2 = arith.muli %add3A, %mul3A_1 : i32
    %scan3A = arith.constant 0 : i32
    %scan3A_3 = arith.constant 0 : i32
    %scan3A_4 = arith.constant 97 : i32
    %scan3A_5 = arith.addi %scan3A_3, %scan3A_4 : i32
    %scan3A_6 = arith.constant 1 : i32
    scf.for %scan3A_105 = %scan3A_3 to %scan3A_5 step %scan3A_6  : i32 {
      %mul3A_106 = arith.constant 256 : i32
      %mul3A_107 = arith.muli %scan3A_105, %mul3A_106 : i32
      %add3A_108 = arith.addi %mul3A_2, %mul3A_107 : i32
      %add3A_109 = arith.constant 0 : i32
      %add3A_110 = arith.addi %add3A_108, %add3A_109 : i32
      %run_scoped3A_111 = arith.constant 0 : i32
      "tpu.region"() ({
        %run_scoped3A_207 = tpu.sem_alloc : memref<!tpu.dma_semaphore, #tpu.memory_space<semaphore_mem>>
        %dma_start3A_208 = arith.constant 0 : i32
        %dma_start3A_209 = tpu.memref_slice %arg7[%run_scoped3A_111, %dma_start3A_208] : memref<2x128xi32, #tpu.memory_space<vmem>> -> memref<1x128xi32, #tpu.memory_space<vmem>>
        %dma_start3A_210 = tpu.memref_squeeze %dma_start3A_209 : memref<1x128xi32, #tpu.memory_space<vmem>> -> memref<128xi32, #tpu.memory_space<vmem>>
        %dma_start3A_211 = tpu.memref_slice %arg5[%add3A_110] : memref<800000xi32, #tpu.memory_space<hbm>> -> memref<128xi32, #tpu.memory_space<hbm>>
        %dma_start3A_212 = arith.constant 0 : i32
        %dma_start3A_213 = tpu.memref_slice %arg7[%run_scoped3A_111, %dma_start3A_212] : memref<2x128xi32, #tpu.memory_space<vmem>> -> memref<1x128xi32, #tpu.memory_space<vmem>>
        %dma_start3A_214 = tpu.memref_squeeze %dma_start3A_213 : memref<1x128xi32, #tpu.memory_space<vmem>> -> memref<128xi32, #tpu.memory_space<vmem>>
        %dma_start3A_215 = tpu.memref_slice %arg5[%add3A_110] : memref<800000xi32, #tpu.memory_space<hbm>> -> memref<128xi32, #tpu.memory_space<hbm>>
        tpu.enqueue_dma source(%dma_start3A_215 : memref<128xi32, #tpu.memory_space<hbm>>) target(%dma_start3A_214 : memref<128xi32, #tpu.memory_space<vmem>>) target_semaphore(%run_scoped3A_207 : memref<!tpu.dma_semaphore, #tpu.memory_space<semaphore_mem>>)
        %dma_wait3A_216 = arith.constant 0 : i32
        %dma_wait3A_217 = tpu.memref_slice %arg7[%run_scoped3A_111, %dma_wait3A_216] : memref<2x128xi32, #tpu.memory_space<vmem>> -> memref<1x128xi32, #tpu.memory_space<vmem>>
        %dma_wait3A_218 = tpu.memref_squeeze %dma_wait3A_217 : memref<1x128xi32, #tpu.memory_space<vmem>> -> memref<128xi32, #tpu.memory_space<vmem>>
        %dma_wait3A_219 = tpu.memref_slice %arg5[%add3A_110] : memref<800000xi32, #tpu.memory_space<hbm>> -> memref<128xi32, #tpu.memory_space<hbm>>
        %dma_wait3A_220 = arith.constant 0 : i32
        %dma_wait3A_221 = tpu.memref_slice %arg7[%run_scoped3A_111, %dma_wait3A_220] : memref<2x128xi32, #tpu.memory_space<vmem>> -> memref<1x128xi32, #tpu.memory_space<vmem>>
        %dma_wait3A_222 = tpu.memref_squeeze %dma_wait3A_221 : memref<1x128xi32, #tpu.memory_space<vmem>> -> memref<128xi32, #tpu.memory_space<vmem>>
        %dma_wait3A_223 = tpu.memref_slice %arg5[%add3A_110] : memref<800000xi32, #tpu.memory_space<hbm>> -> memref<128xi32, #tpu.memory_space<hbm>>
        tpu.wait_dma2 semaphore(%run_scoped3A_207 : memref<!tpu.dma_semaphore, #tpu.memory_space<semaphore_mem>>) src(%dma_wait3A_223 : memref<128xi32, #tpu.memory_space<hbm>>) dst(%dma_wait3A_222 : memref<128xi32, #tpu.memory_space<vmem>>)
        tpu.yield
      }) : () -> ()
      %add3A_112 = arith.constant 0 : i32
      %add3A_113 = arith.addi %add3A_108, %add3A_112 : i32
      %run_scoped3A_114 = arith.constant 0 : i32
      "tpu.region"() ({
        %run_scoped3A_207 = tpu.sem_alloc : memref<!tpu.dma_semaphore, #tpu.memory_space<semaphore_mem>>
        %dma_start3A_208 = arith.constant 0 : i32
        %dma_start3A_209 = tpu.memref_slice %arg8[%run_scoped3A_114, %dma_start3A_208] : memref<2x128xi32, #tpu.memory_space<vmem>> -> memref<1x128xi32, #tpu.memory_space<vmem>>
        %dma_start3A_210 = tpu.memref_squeeze %dma_start3A_209 : memref<1x128xi32, #tpu.memory_space<vmem>> -> memref<128xi32, #tpu.memory_space<vmem>>
        %dma_start3A_211 = tpu.memref_slice %arg4[%add3A_113] : memref<800000xi32, #tpu.memory_space<hbm>> -> memref<128xi32, #tpu.memory_space<hbm>>
        %dma_start3A_212 = arith.constant 0 : i32
        %dma_start3A_213 = tpu.memref_slice %arg8[%run_scoped3A_114, %dma_start3A_212] : memref<2x128xi32, #tpu.memory_space<vmem>> -> memref<1x128xi32, #tpu.memory_space<vmem>>
        %dma_start3A_214 = tpu.memref_squeeze %dma_start3A_213 : memref<1x128xi32, #tpu.memory_space<vmem>> -> memref<128xi32, #tpu.memory_space<vmem>>
        %dma_start3A_215 = tpu.memref_slice %arg4[%add3A_113] : memref<800000xi32, #tpu.memory_space<hbm>> -> memref<128xi32, #tpu.memory_space<hbm>>
        tpu.enqueue_dma source(%dma_start3A_215 : memref<128xi32, #tpu.memory_space<hbm>>) target(%dma_start3A_214 : memref<128xi32, #tpu.memory_space<vmem>>) target_semaphore(%run_scoped3A_207 : memref<!tpu.dma_semaphore, #tpu.memory_space<semaphore_mem>>)
        %dma_wait3A_216 = arith.constant 0 : i32
        %dma_wait3A_217 = tpu.memref_slice %arg8[%run_scoped3A_114, %dma_wait3A_216] : memref<2x128xi32, #tpu.memory_space<vmem>> -> memref<1x128xi32, #tpu.memory_space<vmem>>
        %dma_wait3A_218 = tpu.memref_squeeze %dma_wait3A_217 : memref<1x128xi32, #tpu.memory_space<vmem>> -> memref<128xi32, #tpu.memory_space<vmem>>
        %dma_wait3A_219 = tpu.memref_slice %arg4[%add3A_113] : memref<800000xi32, #tpu.memory_space<hbm>> -> memref<128xi32, #tpu.memory_space<hbm>>
        %dma_wait3A_220 = arith.constant 0 : i32
        %dma_wait3A_221 = tpu.memref_slice %arg8[%run_scoped3A_114, %dma_wait3A_220] : memref<2x128xi32, #tpu.memory_space<vmem>> -> memref<1x128xi32, #tpu.memory_space<vmem>>
        %dma_wait3A_222 = tpu.memref_squeeze %dma_wait3A_221 : memref<1x128xi32, #tpu.memory_space<vmem>> -> memref<128xi32, #tpu.memory_space<vmem>>
        %dma_wait3A_223 = tpu.memref_slice %arg4[%add3A_113] : memref<800000xi32, #tpu.memory_space<hbm>> -> memref<128xi32, #tpu.memory_space<hbm>>
        tpu.wait_dma2 semaphore(%run_scoped3A_207 : memref<!tpu.dma_semaphore, #tpu.memory_space<semaphore_mem>>) src(%dma_wait3A_223 : memref<128xi32, #tpu.memory_space<hbm>>) dst(%dma_wait3A_222 : memref<128xi32, #tpu.memory_space<vmem>>)
        tpu.yield
      }) : () -> ()
      %dma_start3A_115 = arith.constant 0 : i32
      %dma_start3A_116 = arith.constant 0 : i32
      %dma_start3A_117 = arith.constant 0 : i32
      %dma_start3A_118 = tpu.memref_slice %arg9[%dma_start3A_116, %dma_start3A_117] : memref<256x128xf32, #tpu.memory_space<vmem>> -> memref<128x128xf32, #tpu.memory_space<vmem>>
      %dma_start3A_119 = arith.constant 0 : i32
      %dma_start3A_120 = tpu.memref_slice %arg7[%dma_start3A_115, %dma_start3A_119] : memref<2x128xi32, #tpu.memory_space<vmem>> -> memref<1x128xi32, #tpu.memory_space<vmem>>
      %dma_start3A_121 = tpu.memref_squeeze %dma_start3A_120 : memref<1x128xi32, #tpu.memory_space<vmem>> -> memref<128xi32, #tpu.memory_space<vmem>>
      %dma_start3A_122 = arith.constant 0 : i32
      %dma_start3A_123 = arith.constant 0 : i32
      %dma_start3A_124 = tpu.memref_slice %arg2[%dma_start3A_122, %dma_start3A_123] : memref<50000x128xf32, #tpu.memory_space<hbm>> -> memref<50000x128xf32, #tpu.memory_space<hbm>>
      tpu.enqueue_indirect_dma source(%dma_start3A_124 : memref<50000x128xf32, #tpu.memory_space<hbm>>) target(%dma_start3A_118 : memref<128x128xf32, #tpu.memory_space<vmem>>) offsets(%dma_start3A_121 : memref<128xi32, #tpu.memory_space<vmem>>) semaphore(%arg11 : memref<!tpu.dma_semaphore, #tpu.memory_space<semaphore_mem>>)
      %dma_start3A_125 = arith.constant 0 : i32
      %dma_start3A_126 = arith.constant 0 : i32
      %dma_start3A_127 = arith.constant 0 : i32
      %dma_start3A_128 = tpu.memref_slice %arg10[%dma_start3A_126, %dma_start3A_127] : memref<256x128xf32, #tpu.memory_space<vmem>> -> memref<128x128xf32, #tpu.memory_space<vmem>>
      %dma_start3A_129 = arith.constant 0 : i32
      %dma_start3A_130 = tpu.memref_slice %arg8[%dma_start3A_125, %dma_start3A_129] : memref<2x128xi32, #tpu.memory_space<vmem>> -> memref<1x128xi32, #tpu.memory_space<vmem>>
      %dma_start3A_131 = tpu.memref_squeeze %dma_start3A_130 : memref<1x128xi32, #tpu.memory_space<vmem>> -> memref<128xi32, #tpu.memory_space<vmem>>
      %dma_start3A_132 = arith.constant 0 : i32
      %dma_start3A_133 = arith.constant 0 : i32
      %dma_start3A_134 = tpu.memref_slice %arg3[%dma_start3A_132, %dma_start3A_133] : memref<50000x128xf32, #tpu.memory_space<hbm>> -> memref<50000x128xf32, #tpu.memory_space<hbm>>
      tpu.enqueue_indirect_dma source(%dma_start3A_134 : memref<50000x128xf32, #tpu.memory_space<hbm>>) target(%dma_start3A_128 : memref<128x128xf32, #tpu.memory_space<vmem>>) offsets(%dma_start3A_131 : memref<128xi32, #tpu.memory_space<vmem>>) semaphore(%arg11 : memref<!tpu.dma_semaphore, #tpu.memory_space<semaphore_mem>>)
      %dma_wait3A_135 = arith.constant 0 : i32
      %dma_wait3A_136 = arith.constant 0 : i32
      %dma_wait3A_137 = arith.constant 0 : i32
      %dma_wait3A_138 = tpu.memref_slice %arg9[%dma_wait3A_136, %dma_wait3A_137] : memref<256x128xf32, #tpu.memory_space<vmem>> -> memref<128x128xf32, #tpu.memory_space<vmem>>
      %dma_wait3A_139 = arith.constant 0 : i32
      %dma_wait3A_140 = tpu.memref_slice %arg7[%dma_wait3A_135, %dma_wait3A_139] : memref<2x128xi32, #tpu.memory_space<vmem>> -> memref<1x128xi32, #tpu.memory_space<vmem>>
      %dma_wait3A_141 = tpu.memref_squeeze %dma_wait3A_140 : memref<1x128xi32, #tpu.memory_space<vmem>> -> memref<128xi32, #tpu.memory_space<vmem>>
      %dma_wait3A_142 = arith.constant 0 : i32
      %dma_wait3A_143 = arith.constant 0 : i32
      %dma_wait3A_144 = tpu.memref_slice %arg2[%dma_wait3A_142, %dma_wait3A_143] : memref<50000x128xf32, #tpu.memory_space<hbm>> -> memref<50000x128xf32, #tpu.memory_space<hbm>>
      tpu.wait_indirect_dma semaphore(%arg11 : memref<!tpu.dma_semaphore, #tpu.memory_space<semaphore_mem>>) src(%dma_wait3A_144 : memref<50000x128xf32, #tpu.memory_space<hbm>>) dst(%dma_wait3A_138 : memref<128x128xf32, #tpu.memory_space<vmem>>)
      %dma_wait3A_145 = arith.constant 0 : i32
      %dma_wait3A_146 = arith.constant 0 : i32
      %dma_wait3A_147 = arith.constant 0 : i32
      %dma_wait3A_148 = tpu.memref_slice %arg10[%dma_wait3A_146, %dma_wait3A_147] : memref<256x128xf32, #tpu.memory_space<vmem>> -> memref<128x128xf32, #tpu.memory_space<vmem>>
      %dma_wait3A_149 = arith.constant 0 : i32
      %dma_wait3A_150 = tpu.memref_slice %arg8[%dma_wait3A_145, %dma_wait3A_149] : memref<2x128xi32, #tpu.memory_space<vmem>> -> memref<1x128xi32, #tpu.memory_space<vmem>>
      %dma_wait3A_151 = tpu.memref_squeeze %dma_wait3A_150 : memref<1x128xi32, #tpu.memory_space<vmem>> -> memref<128xi32, #tpu.memory_space<vmem>>
      %dma_wait3A_152 = arith.constant 0 : i32
      %dma_wait3A_153 = arith.constant 0 : i32
      %dma_wait3A_154 = tpu.memref_slice %arg3[%dma_wait3A_152, %dma_wait3A_153] : memref<50000x128xf32, #tpu.memory_space<hbm>> -> memref<50000x128xf32, #tpu.memory_space<hbm>>
      tpu.wait_indirect_dma semaphore(%arg11 : memref<!tpu.dma_semaphore, #tpu.memory_space<semaphore_mem>>) src(%dma_wait3A_154 : memref<50000x128xf32, #tpu.memory_space<hbm>>) dst(%dma_wait3A_148 : memref<128x128xf32, #tpu.memory_space<vmem>>)
      %add3A_155 = arith.constant 128 : i32
      %add3A_156 = arith.addi %add3A_108, %add3A_155 : i32
      %run_scoped3A_157 = arith.constant 1 : i32
      "tpu.region"() ({
        %run_scoped3A_207 = tpu.sem_alloc : memref<!tpu.dma_semaphore, #tpu.memory_space<semaphore_mem>>
        %dma_start3A_208 = arith.constant 0 : i32
        %dma_start3A_209 = tpu.memref_slice %arg7[%run_scoped3A_157, %dma_start3A_208] : memref<2x128xi32, #tpu.memory_space<vmem>> -> memref<1x128xi32, #tpu.memory_space<vmem>>
        %dma_start3A_210 = tpu.memref_squeeze %dma_start3A_209 : memref<1x128xi32, #tpu.memory_space<vmem>> -> memref<128xi32, #tpu.memory_space<vmem>>
        %dma_start3A_211 = tpu.memref_slice %arg5[%add3A_156] : memref<800000xi32, #tpu.memory_space<hbm>> -> memref<128xi32, #tpu.memory_space<hbm>>
        %dma_start3A_212 = arith.constant 0 : i32
        %dma_start3A_213 = tpu.memref_slice %arg7[%run_scoped3A_157, %dma_start3A_212] : memref<2x128xi32, #tpu.memory_space<vmem>> -> memref<1x128xi32, #tpu.memory_space<vmem>>
        %dma_start3A_214 = tpu.memref_squeeze %dma_start3A_213 : memref<1x128xi32, #tpu.memory_space<vmem>> -> memref<128xi32, #tpu.memory_space<vmem>>
        %dma_start3A_215 = tpu.memref_slice %arg5[%add3A_156] : memref<800000xi32, #tpu.memory_space<hbm>> -> memref<128xi32, #tpu.memory_space<hbm>>
        tpu.enqueue_dma source(%dma_start3A_215 : memref<128xi32, #tpu.memory_space<hbm>>) target(%dma_start3A_214 : memref<128xi32, #tpu.memory_space<vmem>>) target_semaphore(%run_scoped3A_207 : memref<!tpu.dma_semaphore, #tpu.memory_space<semaphore_mem>>)
        %dma_wait3A_216 = arith.constant 0 : i32
        %dma_wait3A_217 = tpu.memref_slice %arg7[%run_scoped3A_157, %dma_wait3A_216] : memref<2x128xi32, #tpu.memory_space<vmem>> -> memref<1x128xi32, #tpu.memory_space<vmem>>
        %dma_wait3A_218 = tpu.memref_squeeze %dma_wait3A_217 : memref<1x128xi32, #tpu.memory_space<vmem>> -> memref<128xi32, #tpu.memory_space<vmem>>
        %dma_wait3A_219 = tpu.memref_slice %arg5[%add3A_156] : memref<800000xi32, #tpu.memory_space<hbm>> -> memref<128xi32, #tpu.memory_space<hbm>>
        %dma_wait3A_220 = arith.constant 0 : i32
        %dma_wait3A_221 = tpu.memref_slice %arg7[%run_scoped3A_157, %dma_wait3A_220] : memref<2x128xi32, #tpu.memory_space<vmem>> -> memref<1x128xi32, #tpu.memory_space<vmem>>
        %dma_wait3A_222 = tpu.memref_squeeze %dma_wait3A_221 : memref<1x128xi32, #tpu.memory_space<vmem>> -> memref<128xi32, #tpu.memory_space<vmem>>
        %dma_wait3A_223 = tpu.memref_slice %arg5[%add3A_156] : memref<800000xi32, #tpu.memory_space<hbm>> -> memref<128xi32, #tpu.memory_space<hbm>>
        tpu.wait_dma2 semaphore(%run_scoped3A_207 : memref<!tpu.dma_semaphore, #tpu.memory_space<semaphore_mem>>) src(%dma_wait3A_223 : memref<128xi32, #tpu.memory_space<hbm>>) dst(%dma_wait3A_222 : memref<128xi32, #tpu.memory_space<vmem>>)
        tpu.yield
      }) : () -> ()
      %add3A_158 = arith.constant 128 : i32
      %add3A_159 = arith.addi %add3A_108, %add3A_158 : i32
      %run_scoped3A_160 = arith.constant 1 : i32
      "tpu.region"() ({
        %run_scoped3A_207 = tpu.sem_alloc : memref<!tpu.dma_semaphore, #tpu.memory_space<semaphore_mem>>
        %dma_start3A_208 = arith.constant 0 : i32
        %dma_start3A_209 = tpu.memref_slice %arg8[%run_scoped3A_160, %dma_start3A_208] : memref<2x128xi32, #tpu.memory_space<vmem>> -> memref<1x128xi32, #tpu.memory_space<vmem>>
        %dma_start3A_210 = tpu.memref_squeeze %dma_start3A_209 : memref<1x128xi32, #tpu.memory_space<vmem>> -> memref<128xi32, #tpu.memory_space<vmem>>
        %dma_start3A_211 = tpu.memref_slice %arg4[%add3A_159] : memref<800000xi32, #tpu.memory_space<hbm>> -> memref<128xi32, #tpu.memory_space<hbm>>
        %dma_start3A_212 = arith.constant 0 : i32
        %dma_start3A_213 = tpu.memref_slice %arg8[%run_scoped3A_160, %dma_start3A_212] : memref<2x128xi32, #tpu.memory_space<vmem>> -> memref<1x128xi32, #tpu.memory_space<vmem>>
        %dma_start3A_214 = tpu.memref_squeeze %dma_start3A_213 : memref<1x128xi32, #tpu.memory_space<vmem>> -> memref<128xi32, #tpu.memory_space<vmem>>
        %dma_start3A_215 = tpu.memref_slice %arg4[%add3A_159] : memref<800000xi32, #tpu.memory_space<hbm>> -> memref<128xi32, #tpu.memory_space<hbm>>
        tpu.enqueue_dma source(%dma_start3A_215 : memref<128xi32, #tpu.memory_space<hbm>>) target(%dma_start3A_214 : memref<128xi32, #tpu.memory_space<vmem>>) target_semaphore(%run_scoped3A_207 : memref<!tpu.dma_semaphore, #tpu.memory_space<semaphore_mem>>)
        %dma_wait3A_216 = arith.constant 0 : i32
        %dma_wait3A_217 = tpu.memref_slice %arg8[%run_scoped3A_160, %dma_wait3A_216] : memref<2x128xi32, #tpu.memory_space<vmem>> -> memref<1x128xi32, #tpu.memory_space<vmem>>
        %dma_wait3A_218 = tpu.memref_squeeze %dma_wait3A_217 : memref<1x128xi32, #tpu.memory_space<vmem>> -> memref<128xi32, #tpu.memory_space<vmem>>
        %dma_wait3A_219 = tpu.memref_slice %arg4[%add3A_159] : memref<800000xi32, #tpu.memory_space<hbm>> -> memref<128xi32, #tpu.memory_space<hbm>>
        %dma_wait3A_220 = arith.constant 0 : i32
        %dma_wait3A_221 = tpu.memref_slice %arg8[%run_scoped3A_160, %dma_wait3A_220] : memref<2x128xi32, #tpu.memory_space<vmem>> -> memref<1x128xi32, #tpu.memory_space<vmem>>
        %dma_wait3A_222 = tpu.memref_squeeze %dma_wait3A_221 : memref<1x128xi32, #tpu.memory_space<vmem>> -> memref<128xi32, #tpu.memory_space<vmem>>
        %dma_wait3A_223 = tpu.memref_slice %arg4[%add3A_159] : memref<800000xi32, #tpu.memory_space<hbm>> -> memref<128xi32, #tpu.memory_space<hbm>>
        tpu.wait_dma2 semaphore(%run_scoped3A_207 : memref<!tpu.dma_semaphore, #tpu.memory_space<semaphore_mem>>) src(%dma_wait3A_223 : memref<128xi32, #tpu.memory_space<hbm>>) dst(%dma_wait3A_222 : memref<128xi32, #tpu.memory_space<vmem>>)
        tpu.yield
      }) : () -> ()
      %dma_start3A_161 = arith.constant 1 : i32
      %dma_start3A_162 = arith.constant 128 : i32
      %dma_start3A_163 = arith.constant 0 : i32
      %dma_start3A_164 = tpu.memref_slice %arg9[%dma_start3A_162, %dma_start3A_163] : memref<256x128xf32, #tpu.memory_space<vmem>> -> memref<128x128xf32, #tpu.memory_space<vmem>>
      %dma_start3A_165 = arith.constant 0 : i32
      %dma_start3A_166 = tpu.memref_slice %arg7[%dma_start3A_161, %dma_start3A_165] : memref<2x128xi32, #tpu.memory_space<vmem>> -> memref<1x128xi32, #tpu.memory_space<vmem>>
      %dma_start3A_167 = tpu.memref_squeeze %dma_start3A_166 : memref<1x128xi32, #tpu.memory_space<vmem>> -> memref<128xi32, #tpu.memory_space<vmem>>
      %dma_start3A_168 = arith.constant 0 : i32
      %dma_start3A_169 = arith.constant 0 : i32
      %dma_start3A_170 = tpu.memref_slice %arg2[%dma_start3A_168, %dma_start3A_169] : memref<50000x128xf32, #tpu.memory_space<hbm>> -> memref<50000x128xf32, #tpu.memory_space<hbm>>
      tpu.enqueue_indirect_dma source(%dma_start3A_170 : memref<50000x128xf32, #tpu.memory_space<hbm>>) target(%dma_start3A_164 : memref<128x128xf32, #tpu.memory_space<vmem>>) offsets(%dma_start3A_167 : memref<128xi32, #tpu.memory_space<vmem>>) semaphore(%arg11 : memref<!tpu.dma_semaphore, #tpu.memory_space<semaphore_mem>>)
      %dma_start3A_171 = arith.constant 1 : i32
      %dma_start3A_172 = arith.constant 128 : i32
      %dma_start3A_173 = arith.constant 0 : i32
      %dma_start3A_174 = tpu.memref_slice %arg10[%dma_start3A_172, %dma_start3A_173] : memref<256x128xf32, #tpu.memory_space<vmem>> -> memref<128x128xf32, #tpu.memory_space<vmem>>
      %dma_start3A_175 = arith.constant 0 : i32
      %dma_start3A_176 = tpu.memref_slice %arg8[%dma_start3A_171, %dma_start3A_175] : memref<2x128xi32, #tpu.memory_space<vmem>> -> memref<1x128xi32, #tpu.memory_space<vmem>>
      %dma_start3A_177 = tpu.memref_squeeze %dma_start3A_176 : memref<1x128xi32, #tpu.memory_space<vmem>> -> memref<128xi32, #tpu.memory_space<vmem>>
      %dma_start3A_178 = arith.constant 0 : i32
      %dma_start3A_179 = arith.constant 0 : i32
      %dma_start3A_180 = tpu.memref_slice %arg3[%dma_start3A_178, %dma_start3A_179] : memref<50000x128xf32, #tpu.memory_space<hbm>> -> memref<50000x128xf32, #tpu.memory_space<hbm>>
      tpu.enqueue_indirect_dma source(%dma_start3A_180 : memref<50000x128xf32, #tpu.memory_space<hbm>>) target(%dma_start3A_174 : memref<128x128xf32, #tpu.memory_space<vmem>>) offsets(%dma_start3A_177 : memref<128xi32, #tpu.memory_space<vmem>>) semaphore(%arg11 : memref<!tpu.dma_semaphore, #tpu.memory_space<semaphore_mem>>)
      %dma_wait3A_181 = arith.constant 1 : i32
      %dma_wait3A_182 = arith.constant 128 : i32
      %dma_wait3A_183 = arith.constant 0 : i32
      %dma_wait3A_184 = tpu.memref_slice %arg9[%dma_wait3A_182, %dma_wait3A_183] : memref<256x128xf32, #tpu.memory_space<vmem>> -> memref<128x128xf32, #tpu.memory_space<vmem>>
      %dma_wait3A_185 = arith.constant 0 : i32
      %dma_wait3A_186 = tpu.memref_slice %arg7[%dma_wait3A_181, %dma_wait3A_185] : memref<2x128xi32, #tpu.memory_space<vmem>> -> memref<1x128xi32, #tpu.memory_space<vmem>>
      %dma_wait3A_187 = tpu.memref_squeeze %dma_wait3A_186 : memref<1x128xi32, #tpu.memory_space<vmem>> -> memref<128xi32, #tpu.memory_space<vmem>>
      %dma_wait3A_188 = arith.constant 0 : i32
      %dma_wait3A_189 = arith.constant 0 : i32
      %dma_wait3A_190 = tpu.memref_slice %arg2[%dma_wait3A_188, %dma_wait3A_189] : memref<50000x128xf32, #tpu.memory_space<hbm>> -> memref<50000x128xf32, #tpu.memory_space<hbm>>
      tpu.wait_indirect_dma semaphore(%arg11 : memref<!tpu.dma_semaphore, #tpu.memory_space<semaphore_mem>>) src(%dma_wait3A_190 : memref<50000x128xf32, #tpu.memory_space<hbm>>) dst(%dma_wait3A_184 : memref<128x128xf32, #tpu.memory_space<vmem>>)
      %dma_wait3A_191 = arith.constant 1 : i32
      %dma_wait3A_192 = arith.constant 128 : i32
      %dma_wait3A_193 = arith.constant 0 : i32
      %dma_wait3A_194 = tpu.memref_slice %arg10[%dma_wait3A_192, %dma_wait3A_193] : memref<256x128xf32, #tpu.memory_space<vmem>> -> memref<128x128xf32, #tpu.memory_space<vmem>>
      %dma_wait3A_195 = arith.constant 0 : i32
      %dma_wait3A_196 = tpu.memref_slice %arg8[%dma_wait3A_191, %dma_wait3A_195] : memref<2x128xi32, #tpu.memory_space<vmem>> -> memref<1x128xi32, #tpu.memory_space<vmem>>
      %dma_wait3A_197 = tpu.memref_squeeze %dma_wait3A_196 : memref<1x128xi32, #tpu.memory_space<vmem>> -> memref<128xi32, #tpu.memory_space<vmem>>
      %dma_wait3A_198 = arith.constant 0 : i32
      %dma_wait3A_199 = arith.constant 0 : i32
      %dma_wait3A_200 = tpu.memref_slice %arg3[%dma_wait3A_198, %dma_wait3A_199] : memref<50000x128xf32, #tpu.memory_space<hbm>> -> memref<50000x128xf32, #tpu.memory_space<hbm>>
      tpu.wait_indirect_dma semaphore(%arg11 : memref<!tpu.dma_semaphore, #tpu.memory_space<semaphore_mem>>) src(%dma_wait3A_200 : memref<50000x128xf32, #tpu.memory_space<hbm>>) dst(%dma_wait3A_194 : memref<128x128xf32, #tpu.memory_space<vmem>>)
      %scan3A_201 = arith.constant 0 : i32
      %scan3A_202 = arith.constant 0 : i32
      %scan3A_203 = arith.constant 256 : i32
      %scan3A_204 = arith.addi %scan3A_202, %scan3A_203 : i32
      %scan3A_205 = arith.constant 1 : i32
      scf.for %scan3A_207 = %scan3A_202 to %scan3A_204 step %scan3A_205  : i32 {
        %get3A = arith.index_cast %scan3A_207 : i32 to index
        %get3A_208 = arith.constant 0 : index
        %get3A_209 = tpu.vector_load %arg9[%get3A, %get3A_208] {strides = array<i32>} : memref<256x128xf32, #tpu.memory_space<vmem>>, vector<1x16xf32>,
        %get3A_210 = vector.shape_cast %get3A_209 : vector<1x16xf32> to vector<16xf32>
        %get3A_211 = arith.index_cast %scan3A_207 : i32 to index
        %get3A_212 = arith.constant 0 : index
        %get3A_213 = tpu.vector_load %arg10[%get3A_211, %get3A_212] {strides = array<i32>} : memref<256x128xf32, #tpu.memory_space<vmem>>, vector<1x16xf32>,
        %get3A_214 = vector.shape_cast %get3A_213 : vector<1x16xf32> to vector<16xf32>
        %add3A_215 = arith.addf %get3A_210, %get3A_214 : vector<16xf32>
        %swap3A = arith.index_cast %scan3A_207 : i32 to index
        %swap3A_216 = arith.constant 0 : index
        %swap3A_217 = tpu.vector_load %arg9[%swap3A, %swap3A_216] {strides = array<i32>} : memref<256x128xf32, #tpu.memory_space<vmem>>, vector<1x16xf32>,
        %swap3A_218 = vector.shape_cast %swap3A_217 : vector<1x16xf32> to vector<16xf32>
        %swap3A_219 = vector.shape_cast %add3A_215 : vector<16xf32> to vector<1x16xf32>
        tpu.vector_store %arg9[%swap3A, %swap3A_216], %swap3A_219 {strides = array<i32>} : memref<256x128xf32, #tpu.memory_space<vmem>>, vector<1x16xf32>,
        %get3A_220 = arith.index_cast %scan3A_207 : i32 to index
        %get3A_221 = arith.constant 16 : index
        %get3A_222 = tpu.vector_load %arg9[%get3A_220, %get3A_221] {strides = array<i32>} : memref<256x128xf32, #tpu.memory_space<vmem>>, vector<1x16xf32>,
        %get3A_223 = vector.shape_cast %get3A_222 : vector<1x16xf32> to vector<16xf32>
        %get3A_224 = arith.index_cast %scan3A_207 : i32 to index
        %get3A_225 = arith.constant 16 : index
        %get3A_226 = tpu.vector_load %arg10[%get3A_224, %get3A_225] {strides = array<i32>} : memref<256x128xf32, #tpu.memory_space<vmem>>, vector<1x16xf32>,
        %get3A_227 = vector.shape_cast %get3A_226 : vector<1x16xf32> to vector<16xf32>
        %add3A_228 = arith.addf %get3A_223, %get3A_227 : vector<16xf32>
        %swap3A_229 = arith.index_cast %scan3A_207 : i32 to index
        %swap3A_230 = arith.constant 16 : index
        %swap3A_231 = tpu.vector_load %arg9[%swap3A_229, %swap3A_230] {strides = array<i32>} : memref<256x128xf32, #tpu.memory_space<vmem>>, vector<1x16xf32>,
        %swap3A_232 = vector.shape_cast %swap3A_231 : vector<1x16xf32> to vector<16xf32>
        %swap3A_233 = vector.shape_cast %add3A_228 : vector<16xf32> to vector<1x16xf32>
        tpu.vector_store %arg9[%swap3A_229, %swap3A_230], %swap3A_233 {strides = array<i32>} : memref<256x128xf32, #tpu.memory_space<vmem>>, vector<1x16xf32>,
        %get3A_234 = arith.index_cast %scan3A_207 : i32 to index
        %get3A_235 = arith.constant 32 : index
        %get3A_236 = tpu.vector_load %arg9[%get3A_234, %get3A_235] {strides = array<i32>} : memref<256x128xf32, #tpu.memory_space<vmem>>, vector<1x16xf32>,
        %get3A_237 = vector.shape_cast %get3A_236 : vector<1x16xf32> to vector<16xf32>
        %get3A_238 = arith.index_cast %scan3A_207 : i32 to index
        %get3A_239 = arith.constant 32 : index
        %get3A_240 = tpu.vector_load %arg10[%get3A_238, %get3A_239] {strides = array<i32>} : memref<256x128xf32, #tpu.memory_space<vmem>>, vector<1x16xf32>,
        %get3A_241 = vector.shape_cast %get3A_240 : vector<1x16xf32> to vector<16xf32>
        %add3A_242 = arith.addf %get3A_237, %get3A_241 : vector<16xf32>
        %swap3A_243 = arith.index_cast %scan3A_207 : i32 to index
        %swap3A_244 = arith.constant 32 : index
        %swap3A_245 = tpu.vector_load %arg9[%swap3A_243, %swap3A_244] {strides = array<i32>} : memref<256x128xf32, #tpu.memory_space<vmem>>, vector<1x16xf32>,
        %swap3A_246 = vector.shape_cast %swap3A_245 : vector<1x16xf32> to vector<16xf32>
        %swap3A_247 = vector.shape_cast %add3A_242 : vector<16xf32> to vector<1x16xf32>
        tpu.vector_store %arg9[%swap3A_243, %swap3A_244], %swap3A_247 {strides = array<i32>} : memref<256x128xf32, #tpu.memory_space<vmem>>, vector<1x16xf32>,
        %get3A_248 = arith.index_cast %scan3A_207 : i32 to index
        %get3A_249 = arith.constant 48 : index
        %get3A_250 = tpu.vector_load %arg9[%get3A_248, %get3A_249] {strides = array<i32>} : memref<256x128xf32, #tpu.memory_space<vmem>>, vector<1x16xf32>,
        %get3A_251 = vector.shape_cast %get3A_250 : vector<1x16xf32> to vector<16xf32>
        %get3A_252 = arith.index_cast %scan3A_207 : i32 to index
        %get3A_253 = arith.constant 48 : index
        %get3A_254 = tpu.vector_load %arg10[%get3A_252, %get3A_253] {strides = array<i32>} : memref<256x128xf32, #tpu.memory_space<vmem>>, vector<1x16xf32>,
        %get3A_255 = vector.shape_cast %get3A_254 : vector<1x16xf32> to vector<16xf32>
        %add3A_256 = arith.addf %get3A_251, %get3A_255 : vector<16xf32>
        %swap3A_257 = arith.index_cast %scan3A_207 : i32 to index
        %swap3A_258 = arith.constant 48 : index
        %swap3A_259 = tpu.vector_load %arg9[%swap3A_257, %swap3A_258] {strides = array<i32>} : memref<256x128xf32, #tpu.memory_space<vmem>>, vector<1x16xf32>,
        %swap3A_260 = vector.shape_cast %swap3A_259 : vector<1x16xf32> to vector<16xf32>
        %swap3A_261 = vector.shape_cast %add3A_256 : vector<16xf32> to vector<1x16xf32>
        tpu.vector_store %arg9[%swap3A_257, %swap3A_258], %swap3A_261 {strides = array<i32>} : memref<256x128xf32, #tpu.memory_space<vmem>>, vector<1x16xf32>,
        %get3A_262 = arith.index_cast %scan3A_207 : i32 to index
        %get3A_263 = arith.constant 64 : index
        %get3A_264 = tpu.vector_load %arg9[%get3A_262, %get3A_263] {strides = array<i32>} : memref<256x128xf32, #tpu.memory_space<vmem>>, vector<1x16xf32>,
        %get3A_265 = vector.shape_cast %get3A_264 : vector<1x16xf32> to vector<16xf32>
        %get3A_266 = arith.index_cast %scan3A_207 : i32 to index
        %get3A_267 = arith.constant 64 : index
        %get3A_268 = tpu.vector_load %arg10[%get3A_266, %get3A_267] {strides = array<i32>} : memref<256x128xf32, #tpu.memory_space<vmem>>, vector<1x16xf32>,
        %get3A_269 = vector.shape_cast %get3A_268 : vector<1x16xf32> to vector<16xf32>
        %add3A_270 = arith.addf %get3A_265, %get3A_269 : vector<16xf32>
        %swap3A_271 = arith.index_cast %scan3A_207 : i32 to index
        %swap3A_272 = arith.constant 64 : index
        %swap3A_273 = tpu.vector_load %arg9[%swap3A_271, %swap3A_272] {strides = array<i32>} : memref<256x128xf32, #tpu.memory_space<vmem>>, vector<1x16xf32>,
        %swap3A_274 = vector.shape_cast %swap3A_273 : vector<1x16xf32> to vector<16xf32>
        %swap3A_275 = vector.shape_cast %add3A_270 : vector<16xf32> to vector<1x16xf32>
        tpu.vector_store %arg9[%swap3A_271, %swap3A_272], %swap3A_275 {strides = array<i32>} : memref<256x128xf32, #tpu.memory_space<vmem>>, vector<1x16xf32>,
        %get3A_276 = arith.index_cast %scan3A_207 : i32 to index
        %get3A_277 = arith.constant 80 : index
        %get3A_278 = tpu.vector_load %arg9[%get3A_276, %get3A_277] {strides = array<i32>} : memref<256x128xf32, #tpu.memory_space<vmem>>, vector<1x16xf32>,
        %get3A_279 = vector.shape_cast %get3A_278 : vector<1x16xf32> to vector<16xf32>
        %get3A_280 = arith.index_cast %scan3A_207 : i32 to index
        %get3A_281 = arith.constant 80 : index
        %get3A_282 = tpu.vector_load %arg10[%get3A_280, %get3A_281] {strides = array<i32>} : memref<256x128xf32, #tpu.memory_space<vmem>>, vector<1x16xf32>,
        %get3A_283 = vector.shape_cast %get3A_282 : vector<1x16xf32> to vector<16xf32>
        %add3A_284 = arith.addf %get3A_279, %get3A_283 : vector<16xf32>
        %swap3A_285 = arith.index_cast %scan3A_207 : i32 to index
        %swap3A_286 = arith.constant 80 : index
        %swap3A_287 = tpu.vector_load %arg9[%swap3A_285, %swap3A_286] {strides = array<i32>} : memref<256x128xf32, #tpu.memory_space<vmem>>, vector<1x16xf32>,
        %swap3A_288 = vector.shape_cast %swap3A_287 : vector<1x16xf32> to vector<16xf32>
        %swap3A_289 = vector.shape_cast %add3A_284 : vector<16xf32> to vector<1x16xf32>
        tpu.vector_store %arg9[%swap3A_285, %swap3A_286], %swap3A_289 {strides = array<i32>} : memref<256x128xf32, #tpu.memory_space<vmem>>, vector<1x16xf32>,
        %get3A_290 = arith.index_cast %scan3A_207 : i32 to index
        %get3A_291 = arith.constant 96 : index
        %get3A_292 = tpu.vector_load %arg9[%get3A_290, %get3A_291] {strides = array<i32>} : memref<256x128xf32, #tpu.memory_space<vmem>>, vector<1x16xf32>,
        %get3A_293 = vector.shape_cast %get3A_292 : vector<1x16xf32> to vector<16xf32>
        %get3A_294 = arith.index_cast %scan3A_207 : i32 to index
        %get3A_295 = arith.constant 96 : index
        %get3A_296 = tpu.vector_load %arg10[%get3A_294, %get3A_295] {strides = array<i32>} : memref<256x128xf32, #tpu.memory_space<vmem>>, vector<1x16xf32>,
        %get3A_297 = vector.shape_cast %get3A_296 : vector<1x16xf32> to vector<16xf32>
        %add3A_298 = arith.addf %get3A_293, %get3A_297 : vector<16xf32>
        %swap3A_299 = arith.index_cast %scan3A_207 : i32 to index
        %swap3A_300 = arith.constant 96 : index
        %swap3A_301 = tpu.vector_load %arg9[%swap3A_299, %swap3A_300] {strides = array<i32>} : memref<256x128xf32, #tpu.memory_space<vmem>>, vector<1x16xf32>,
        %swap3A_302 = vector.shape_cast %swap3A_301 : vector<1x16xf32> to vector<16xf32>
        %swap3A_303 = vector.shape_cast %add3A_298 : vector<16xf32> to vector<1x16xf32>
        tpu.vector_store %arg9[%swap3A_299, %swap3A_300], %swap3A_303 {strides = array<i32>} : memref<256x128xf32, #tpu.memory_space<vmem>>, vector<1x16xf32>,
        %get3A_304 = arith.index_cast %scan3A_207 : i32 to index
        %get3A_305 = arith.constant 112 : index
        %get3A_306 = tpu.vector_load %arg9[%get3A_304, %get3A_305] {strides = array<i32>} : memref<256x128xf32, #tpu.memory_space<vmem>>, vector<1x16xf32>,
        %get3A_307 = vector.shape_cast %get3A_306 : vector<1x16xf32> to vector<16xf32>
        %get3A_308 = arith.index_cast %scan3A_207 : i32 to index
        %get3A_309 = arith.constant 112 : index
        %get3A_310 = tpu.vector_load %arg10[%get3A_308, %get3A_309] {strides = array<i32>} : memref<256x128xf32, #tpu.memory_space<vmem>>, vector<1x16xf32>,
        %get3A_311 = vector.shape_cast %get3A_310 : vector<1x16xf32> to vector<16xf32>
        %add3A_312 = arith.addf %get3A_307, %get3A_311 : vector<16xf32>
        %swap3A_313 = arith.index_cast %scan3A_207 : i32 to index
        %swap3A_314 = arith.constant 112 : index
        %swap3A_315 = tpu.vector_load %arg9[%swap3A_313, %swap3A_314] {strides = array<i32>} : memref<256x128xf32, #tpu.memory_space<vmem>>, vector<1x16xf32>,
        %swap3A_316 = vector.shape_cast %swap3A_315 : vector<1x16xf32> to vector<16xf32>
        %swap3A_317 = vector.shape_cast %add3A_312 : vector<16xf32> to vector<1x16xf32>
        tpu.vector_store %arg9[%swap3A_313, %swap3A_314], %swap3A_317 {strides = array<i32>} : memref<256x128xf32, #tpu.memory_space<vmem>>, vector<1x16xf32>,
      }
      %scan3A_206 = arith.constant 256 : i32
      "tpu.region"() ({
        %run_scoped3A_207 = tpu.sem_alloc : memref<!tpu.dma_semaphore, #tpu.memory_space<semaphore_mem>>
        %dma_start3A_208 = arith.constant 0 : i32
        %dma_start3A_209 = tpu.memref_slice %arg6[%add3A_108, %dma_start3A_208] : memref<800000x128xf32, #tpu.memory_space<hbm>> -> memref<256x128xf32, #tpu.memory_space<hbm>>
        %dma_start3A_210 = arith.constant 0 : i32
        %dma_start3A_211 = tpu.memref_slice %arg6[%add3A_108, %dma_start3A_210] : memref<800000x128xf32, #tpu.memory_space<hbm>> -> memref<256x128xf32, #tpu.memory_space<hbm>>
        tpu.enqueue_dma source(%arg9 : memref<256x128xf32, #tpu.memory_space<vmem>>) target(%dma_start3A_211 : memref<256x128xf32, #tpu.memory_space<hbm>>) target_semaphore(%run_scoped3A_207 : memref<!tpu.dma_semaphore, #tpu.memory_space<semaphore_mem>>)
        %dma_wait3A_212 = arith.constant 0 : i32
        %dma_wait3A_213 = tpu.memref_slice %arg6[%add3A_108, %dma_wait3A_212] : memref<800000x128xf32, #tpu.memory_space<hbm>> -> memref<256x128xf32, #tpu.memory_space<hbm>>
        %dma_wait3A_214 = arith.constant 0 : i32
        %dma_wait3A_215 = tpu.memref_slice %arg6[%add3A_108, %dma_wait3A_214] : memref<800000x128xf32, #tpu.memory_space<hbm>> -> memref<256x128xf32, #tpu.memory_space<hbm>>
        tpu.wait_dma2 semaphore(%run_scoped3A_207 : memref<!tpu.dma_semaphore, #tpu.memory_space<semaphore_mem>>) src(%arg9 : memref<256x128xf32, #tpu.memory_space<vmem>>) dst(%dma_wait3A_215 : memref<256x128xf32, #tpu.memory_space<hbm>>)
        tpu.yield
      }) : () -> ()
    }
    %scan3A_7 = arith.constant 97 : i32
    %add3A_8 = arith.constant 24832 : i32
    %add3A_9 = arith.addi %mul3A_2, %add3A_8 : i32
    %add3A_10 = arith.constant 0 : i32
    %add3A_11 = arith.addi %add3A_9, %add3A_10 : i32
    %run_scoped3A = arith.constant 0 : i32
    "tpu.region"() ({
      %run_scoped3A_105 = tpu.sem_alloc : memref<!tpu.dma_semaphore, #tpu.memory_space<semaphore_mem>>
      %dma_start3A_106 = arith.constant 0 : i32
      %dma_start3A_107 = tpu.memref_slice %arg7[%run_scoped3A, %dma_start3A_106] : memref<2x128xi32, #tpu.memory_space<vmem>> -> memref<1x128xi32, #tpu.memory_space<vmem>>
      %dma_start3A_108 = tpu.memref_squeeze %dma_start3A_107 : memref<1x128xi32, #tpu.memory_space<vmem>> -> memref<128xi32, #tpu.memory_space<vmem>>
      %dma_start3A_109 = tpu.memref_slice %arg5[%add3A_11] : memref<800000xi32, #tpu.memory_space<hbm>> -> memref<128xi32, #tpu.memory_space<hbm>>
      %dma_start3A_110 = arith.constant 0 : i32
      %dma_start3A_111 = tpu.memref_slice %arg7[%run_scoped3A, %dma_start3A_110] : memref<2x128xi32, #tpu.memory_space<vmem>> -> memref<1x128xi32, #tpu.memory_space<vmem>>
      %dma_start3A_112 = tpu.memref_squeeze %dma_start3A_111 : memref<1x128xi32, #tpu.memory_space<vmem>> -> memref<128xi32, #tpu.memory_space<vmem>>
      %dma_start3A_113 = tpu.memref_slice %arg5[%add3A_11] : memref<800000xi32, #tpu.memory_space<hbm>> -> memref<128xi32, #tpu.memory_space<hbm>>
      tpu.enqueue_dma source(%dma_start3A_113 : memref<128xi32, #tpu.memory_space<hbm>>) target(%dma_start3A_112 : memref<128xi32, #tpu.memory_space<vmem>>) target_semaphore(%run_scoped3A_105 : memref<!tpu.dma_semaphore, #tpu.memory_space<semaphore_mem>>)
      %dma_wait3A_114 = arith.constant 0 : i32
      %dma_wait3A_115 = tpu.memref_slice %arg7[%run_scoped3A, %dma_wait3A_114] : memref<2x128xi32, #tpu.memory_space<vmem>> -> memref<1x128xi32, #tpu.memory_space<vmem>>
      %dma_wait3A_116 = tpu.memref_squeeze %dma_wait3A_115 : memref<1x128xi32, #tpu.memory_space<vmem>> -> memref<128xi32, #tpu.memory_space<vmem>>
      %dma_wait3A_117 = tpu.memref_slice %arg5[%add3A_11] : memref<800000xi32, #tpu.memory_space<hbm>> -> memref<128xi32, #tpu.memory_space<hbm>>
      %dma_wait3A_118 = arith.constant 0 : i32
      %dma_wait3A_119 = tpu.memref_slice %arg7[%run_scoped3A, %dma_wait3A_118] : memref<2x128xi32, #tpu.memory_space<vmem>> -> memref<1x128xi32, #tpu.memory_space<vmem>>
      %dma_wait3A_120 = tpu.memref_squeeze %dma_wait3A_119 : memref<1x128xi32, #tpu.memory_space<vmem>> -> memref<128xi32, #tpu.memory_space<vmem>>
      %dma_wait3A_121 = tpu.memref_slice %arg5[%add3A_11] : memref<800000xi32, #tpu.memory_space<hbm>> -> memref<128xi32, #tpu.memory_space<hbm>>
      tpu.wait_dma2 semaphore(%run_scoped3A_105 : memref<!tpu.dma_semaphore, #tpu.memory_space<semaphore_mem>>) src(%dma_wait3A_121 : memref<128xi32, #tpu.memory_space<hbm>>) dst(%dma_wait3A_120 : memref<128xi32, #tpu.memory_space<vmem>>)
      tpu.yield
    }) : () -> ()
    %add3A_12 = arith.constant 0 : i32
    %add3A_13 = arith.addi %add3A_9, %add3A_12 : i32
    %run_scoped3A_14 = arith.constant 0 : i32
    "tpu.region"() ({
      %run_scoped3A_105 = tpu.sem_alloc : memref<!tpu.dma_semaphore, #tpu.memory_space<semaphore_mem>>
      %dma_start3A_106 = arith.constant 0 : i32
      %dma_start3A_107 = tpu.memref_slice %arg8[%run_scoped3A_14, %dma_start3A_106] : memref<2x128xi32, #tpu.memory_space<vmem>> -> memref<1x128xi32, #tpu.memory_space<vmem>>
      %dma_start3A_108 = tpu.memref_squeeze %dma_start3A_107 : memref<1x128xi32, #tpu.memory_space<vmem>> -> memref<128xi32, #tpu.memory_space<vmem>>
      %dma_start3A_109 = tpu.memref_slice %arg4[%add3A_13] : memref<800000xi32, #tpu.memory_space<hbm>> -> memref<128xi32, #tpu.memory_space<hbm>>
      %dma_start3A_110 = arith.constant 0 : i32
      %dma_start3A_111 = tpu.memref_slice %arg8[%run_scoped3A_14, %dma_start3A_110] : memref<2x128xi32, #tpu.memory_space<vmem>> -> memref<1x128xi32, #tpu.memory_space<vmem>>
      %dma_start3A_112 = tpu.memref_squeeze %dma_start3A_111 : memref<1x128xi32, #tpu.memory_space<vmem>> -> memref<128xi32, #tpu.memory_space<vmem>>
      %dma_start3A_113 = tpu.memref_slice %arg4[%add3A_13] : memref<800000xi32, #tpu.memory_space<hbm>> -> memref<128xi32, #tpu.memory_space<hbm>>
      tpu.enqueue_dma source(%dma_start3A_113 : memref<128xi32, #tpu.memory_space<hbm>>) target(%dma_start3A_112 : memref<128xi32, #tpu.memory_space<vmem>>) target_semaphore(%run_scoped3A_105 : memref<!tpu.dma_semaphore, #tpu.memory_space<semaphore_mem>>)
      %dma_wait3A_114 = arith.constant 0 : i32
      %dma_wait3A_115 = tpu.memref_slice %arg8[%run_scoped3A_14, %dma_wait3A_114] : memref<2x128xi32, #tpu.memory_space<vmem>> -> memref<1x128xi32, #tpu.memory_space<vmem>>
      %dma_wait3A_116 = tpu.memref_squeeze %dma_wait3A_115 : memref<1x128xi32, #tpu.memory_space<vmem>> -> memref<128xi32, #tpu.memory_space<vmem>>
      %dma_wait3A_117 = tpu.memref_slice %arg4[%add3A_13] : memref<800000xi32, #tpu.memory_space<hbm>> -> memref<128xi32, #tpu.memory_space<hbm>>
      %dma_wait3A_118 = arith.constant 0 : i32
      %dma_wait3A_119 = tpu.memref_slice %arg8[%run_scoped3A_14, %dma_wait3A_118] : memref<2x128xi32, #tpu.memory_space<vmem>> -> memref<1x128xi32, #tpu.memory_space<vmem>>
      %dma_wait3A_120 = tpu.memref_squeeze %dma_wait3A_119 : memref<1x128xi32, #tpu.memory_space<vmem>> -> memref<128xi32, #tpu.memory_space<vmem>>
      %dma_wait3A_121 = tpu.memref_slice %arg4[%add3A_13] : memref<800000xi32, #tpu.memory_space<hbm>> -> memref<128xi32, #tpu.memory_space<hbm>>
      tpu.wait_dma2 semaphore(%run_scoped3A_105 : memref<!tpu.dma_semaphore, #tpu.memory_space<semaphore_mem>>) src(%dma_wait3A_121 : memref<128xi32, #tpu.memory_space<hbm>>) dst(%dma_wait3A_120 : memref<128xi32, #tpu.memory_space<vmem>>)
      tpu.yield
    }) : () -> ()
    %dma_start3A = arith.constant 0 : i32
    %dma_start3A_15 = arith.constant 0 : i32
    %dma_start3A_16 = arith.constant 0 : i32
    %dma_start3A_17 = tpu.memref_slice %arg9[%dma_start3A_15, %dma_start3A_16] : memref<256x128xf32, #tpu.memory_space<vmem>> -> memref<128x128xf32, #tpu.memory_space<vmem>>
    %dma_start3A_18 = arith.constant 0 : i32
    %dma_start3A_19 = tpu.memref_slice %arg7[%dma_start3A, %dma_start3A_18] : memref<2x128xi32, #tpu.memory_space<vmem>> -> memref<1x128xi32, #tpu.memory_space<vmem>>
    %dma_start3A_20 = tpu.memref_squeeze %dma_start3A_19 : memref<1x128xi32, #tpu.memory_space<vmem>> -> memref<128xi32, #tpu.memory_space<vmem>>
    %dma_start3A_21 = arith.constant 0 : i32
    %dma_start3A_22 = arith.constant 0 : i32
    %dma_start3A_23 = tpu.memref_slice %arg2[%dma_start3A_21, %dma_start3A_22] : memref<50000x128xf32, #tpu.memory_space<hbm>> -> memref<50000x128xf32, #tpu.memory_space<hbm>>
    tpu.enqueue_indirect_dma source(%dma_start3A_23 : memref<50000x128xf32, #tpu.memory_space<hbm>>) target(%dma_start3A_17 : memref<128x128xf32, #tpu.memory_space<vmem>>) offsets(%dma_start3A_20 : memref<128xi32, #tpu.memory_space<vmem>>) semaphore(%arg11 : memref<!tpu.dma_semaphore, #tpu.memory_space<semaphore_mem>>)
    %dma_start3A_24 = arith.constant 0 : i32
    %dma_start3A_25 = arith.constant 0 : i32
    %dma_start3A_26 = arith.constant 0 : i32
    %dma_start3A_27 = tpu.memref_slice %arg10[%dma_start3A_25, %dma_start3A_26] : memref<256x128xf32, #tpu.memory_space<vmem>> -> memref<128x128xf32, #tpu.memory_space<vmem>>
    %dma_start3A_28 = arith.constant 0 : i32
    %dma_start3A_29 = tpu.memref_slice %arg8[%dma_start3A_24, %dma_start3A_28] : memref<2x128xi32, #tpu.memory_space<vmem>> -> memref<1x128xi32, #tpu.memory_space<vmem>>
    %dma_start3A_30 = tpu.memref_squeeze %dma_start3A_29 : memref<1x128xi32, #tpu.memory_space<vmem>> -> memref<128xi32, #tpu.memory_space<vmem>>
    %dma_start3A_31 = arith.constant 0 : i32
    %dma_start3A_32 = arith.constant 0 : i32
    %dma_start3A_33 = tpu.memref_slice %arg3[%dma_start3A_31, %dma_start3A_32] : memref<50000x128xf32, #tpu.memory_space<hbm>> -> memref<50000x128xf32, #tpu.memory_space<hbm>>
    tpu.enqueue_indirect_dma source(%dma_start3A_33 : memref<50000x128xf32, #tpu.memory_space<hbm>>) target(%dma_start3A_27 : memref<128x128xf32, #tpu.memory_space<vmem>>) offsets(%dma_start3A_30 : memref<128xi32, #tpu.memory_space<vmem>>) semaphore(%arg11 : memref<!tpu.dma_semaphore, #tpu.memory_space<semaphore_mem>>)
    %dma_wait3A = arith.constant 0 : i32
    %dma_wait3A_34 = arith.constant 0 : i32
    %dma_wait3A_35 = arith.constant 0 : i32
    %dma_wait3A_36 = tpu.memref_slice %arg9[%dma_wait3A_34, %dma_wait3A_35] : memref<256x128xf32, #tpu.memory_space<vmem>> -> memref<128x128xf32, #tpu.memory_space<vmem>>
    %dma_wait3A_37 = arith.constant 0 : i32
    %dma_wait3A_38 = tpu.memref_slice %arg7[%dma_wait3A, %dma_wait3A_37] : memref<2x128xi32, #tpu.memory_space<vmem>> -> memref<1x128xi32, #tpu.memory_space<vmem>>
    %dma_wait3A_39 = tpu.memref_squeeze %dma_wait3A_38 : memref<1x128xi32, #tpu.memory_space<vmem>> -> memref<128xi32, #tpu.memory_space<vmem>>
    %dma_wait3A_40 = arith.constant 0 : i32
    %dma_wait3A_41 = arith.constant 0 : i32
    %dma_wait3A_42 = tpu.memref_slice %arg2[%dma_wait3A_40, %dma_wait3A_41] : memref<50000x128xf32, #tpu.memory_space<hbm>> -> memref<50000x128xf32, #tpu.memory_space<hbm>>
    tpu.wait_indirect_dma semaphore(%arg11 : memref<!tpu.dma_semaphore, #tpu.memory_space<semaphore_mem>>) src(%dma_wait3A_42 : memref<50000x128xf32, #tpu.memory_space<hbm>>) dst(%dma_wait3A_36 : memref<128x128xf32, #tpu.memory_space<vmem>>)
    %dma_wait3A_43 = arith.constant 0 : i32
    %dma_wait3A_44 = arith.constant 0 : i32
    %dma_wait3A_45 = arith.constant 0 : i32
    %dma_wait3A_46 = tpu.memref_slice %arg10[%dma_wait3A_44, %dma_wait3A_45] : memref<256x128xf32, #tpu.memory_space<vmem>> -> memref<128x128xf32, #tpu.memory_space<vmem>>
    %dma_wait3A_47 = arith.constant 0 : i32
    %dma_wait3A_48 = tpu.memref_slice %arg8[%dma_wait3A_43, %dma_wait3A_47] : memref<2x128xi32, #tpu.memory_space<vmem>> -> memref<1x128xi32, #tpu.memory_space<vmem>>
    %dma_wait3A_49 = tpu.memref_squeeze %dma_wait3A_48 : memref<1x128xi32, #tpu.memory_space<vmem>> -> memref<128xi32, #tpu.memory_space<vmem>>
    %dma_wait3A_50 = arith.constant 0 : i32
    %dma_wait3A_51 = arith.constant 0 : i32
    %dma_wait3A_52 = tpu.memref_slice %arg3[%dma_wait3A_50, %dma_wait3A_51] : memref<50000x128xf32, #tpu.memory_space<hbm>> -> memref<50000x128xf32, #tpu.memory_space<hbm>>
    tpu.wait_indirect_dma semaphore(%arg11 : memref<!tpu.dma_semaphore, #tpu.memory_space<semaphore_mem>>) src(%dma_wait3A_52 : memref<50000x128xf32, #tpu.memory_space<hbm>>) dst(%dma_wait3A_46 : memref<128x128xf32, #tpu.memory_space<vmem>>)
    %add3A_53 = arith.constant 128 : i32
    %add3A_54 = arith.addi %add3A_9, %add3A_53 : i32
    %run_scoped3A_55 = arith.constant 1 : i32
    "tpu.region"() ({
      %run_scoped3A_105 = tpu.sem_alloc : memref<!tpu.dma_semaphore, #tpu.memory_space<semaphore_mem>>
      %dma_start3A_106 = arith.constant 0 : i32
      %dma_start3A_107 = tpu.memref_slice %arg7[%run_scoped3A_55, %dma_start3A_106] : memref<2x128xi32, #tpu.memory_space<vmem>> -> memref<1x40xi32, #tpu.memory_space<vmem>>
      %dma_start3A_108 = tpu.memref_squeeze %dma_start3A_107 : memref<1x40xi32, #tpu.memory_space<vmem>> -> memref<40xi32, #tpu.memory_space<vmem>>
      %dma_start3A_109 = tpu.memref_slice %arg5[%add3A_54] : memref<800000xi32, #tpu.memory_space<hbm>> -> memref<40xi32, #tpu.memory_space<hbm>>
      %dma_start3A_110 = arith.constant 0 : i32
      %dma_start3A_111 = tpu.memref_slice %arg7[%run_scoped3A_55, %dma_start3A_110] : memref<2x128xi32, #tpu.memory_space<vmem>> -> memref<1x40xi32, #tpu.memory_space<vmem>>
      %dma_start3A_112 = tpu.memref_squeeze %dma_start3A_111 : memref<1x40xi32, #tpu.memory_space<vmem>> -> memref<40xi32, #tpu.memory_space<vmem>>
      %dma_start3A_113 = tpu.memref_slice %arg5[%add3A_54] : memref<800000xi32, #tpu.memory_space<hbm>> -> memref<40xi32, #tpu.memory_space<hbm>>
      tpu.enqueue_dma source(%dma_start3A_113 : memref<40xi32, #tpu.memory_space<hbm>>) target(%dma_start3A_112 : memref<40xi32, #tpu.memory_space<vmem>>) target_semaphore(%run_scoped3A_105 : memref<!tpu.dma_semaphore, #tpu.memory_space<semaphore_mem>>)
      %dma_wait3A_114 = arith.constant 0 : i32
      %dma_wait3A_115 = tpu.memref_slice %arg7[%run_scoped3A_55, %dma_wait3A_114] : memref<2x128xi32, #tpu.memory_space<vmem>> -> memref<1x40xi32, #tpu.memory_space<vmem>>
      %dma_wait3A_116 = tpu.memref_squeeze %dma_wait3A_115 : memref<1x40xi32, #tpu.memory_space<vmem>> -> memref<40xi32, #tpu.memory_space<vmem>>
      %dma_wait3A_117 = tpu.memref_slice %arg5[%add3A_54] : memref<800000xi32, #tpu.memory_space<hbm>> -> memref<40xi32, #tpu.memory_space<hbm>>
      %dma_wait3A_118 = arith.constant 0 : i32
      %dma_wait3A_119 = tpu.memref_slice %arg7[%run_scoped3A_55, %dma_wait3A_118] : memref<2x128xi32, #tpu.memory_space<vmem>> -> memref<1x40xi32, #tpu.memory_space<vmem>>
      %dma_wait3A_120 = tpu.memref_squeeze %dma_wait3A_119 : memref<1x40xi32, #tpu.memory_space<vmem>> -> memref<40xi32, #tpu.memory_space<vmem>>
      %dma_wait3A_121 = tpu.memref_slice %arg5[%add3A_54] : memref<800000xi32, #tpu.memory_space<hbm>> -> memref<40xi32, #tpu.memory_space<hbm>>
      tpu.wait_dma2 semaphore(%run_scoped3A_105 : memref<!tpu.dma_semaphore, #tpu.memory_space<semaphore_mem>>) src(%dma_wait3A_121 : memref<40xi32, #tpu.memory_space<hbm>>) dst(%dma_wait3A_120 : memref<40xi32, #tpu.memory_space<vmem>>)
      tpu.yield
    }) : () -> ()
    %add3A_56 = arith.constant 128 : i32
    %add3A_57 = arith.addi %add3A_9, %add3A_56 : i32
    %run_scoped3A_58 = arith.constant 1 : i32
    "tpu.region"() ({
      %run_scoped3A_105 = tpu.sem_alloc : memref<!tpu.dma_semaphore, #tpu.memory_space<semaphore_mem>>
      %dma_start3A_106 = arith.constant 0 : i32
      %dma_start3A_107 = tpu.memref_slice %arg8[%run_scoped3A_58, %dma_start3A_106] : memref<2x128xi32, #tpu.memory_space<vmem>> -> memref<1x40xi32, #tpu.memory_space<vmem>>
      %dma_start3A_108 = tpu.memref_squeeze %dma_start3A_107 : memref<1x40xi32, #tpu.memory_space<vmem>> -> memref<40xi32, #tpu.memory_space<vmem>>
      %dma_start3A_109 = tpu.memref_slice %arg4[%add3A_57] : memref<800000xi32, #tpu.memory_space<hbm>> -> memref<40xi32, #tpu.memory_space<hbm>>
      %dma_start3A_110 = arith.constant 0 : i32
      %dma_start3A_111 = tpu.memref_slice %arg8[%run_scoped3A_58, %dma_start3A_110] : memref<2x128xi32, #tpu.memory_space<vmem>> -> memref<1x40xi32, #tpu.memory_space<vmem>>
      %dma_start3A_112 = tpu.memref_squeeze %dma_start3A_111 : memref<1x40xi32, #tpu.memory_space<vmem>> -> memref<40xi32, #tpu.memory_space<vmem>>
      %dma_start3A_113 = tpu.memref_slice %arg4[%add3A_57] : memref<800000xi32, #tpu.memory_space<hbm>> -> memref<40xi32, #tpu.memory_space<hbm>>
      tpu.enqueue_dma source(%dma_start3A_113 : memref<40xi32, #tpu.memory_space<hbm>>) target(%dma_start3A_112 : memref<40xi32, #tpu.memory_space<vmem>>) target_semaphore(%run_scoped3A_105 : memref<!tpu.dma_semaphore, #tpu.memory_space<semaphore_mem>>)
      %dma_wait3A_114 = arith.constant 0 : i32
      %dma_wait3A_115 = tpu.memref_slice %arg8[%run_scoped3A_58, %dma_wait3A_114] : memref<2x128xi32, #tpu.memory_space<vmem>> -> memref<1x40xi32, #tpu.memory_space<vmem>>
      %dma_wait3A_116 = tpu.memref_squeeze %dma_wait3A_115 : memref<1x40xi32, #tpu.memory_space<vmem>> -> memref<40xi32, #tpu.memory_space<vmem>>
      %dma_wait3A_117 = tpu.memref_slice %arg4[%add3A_57] : memref<800000xi32, #tpu.memory_space<hbm>> -> memref<40xi32, #tpu.memory_space<hbm>>
      %dma_wait3A_118 = arith.constant 0 : i32
      %dma_wait3A_119 = tpu.memref_slice %arg8[%run_scoped3A_58, %dma_wait3A_118] : memref<2x128xi32, #tpu.memory_space<vmem>> -> memref<1x40xi32, #tpu.memory_space<vmem>>
      %dma_wait3A_120 = tpu.memref_squeeze %dma_wait3A_119 : memref<1x40xi32, #tpu.memory_space<vmem>> -> memref<40xi32, #tpu.memory_space<vmem>>
      %dma_wait3A_121 = tpu.memref_slice %arg4[%add3A_57] : memref<800000xi32, #tpu.memory_space<hbm>> -> memref<40xi32, #tpu.memory_space<hbm>>
      tpu.wait_dma2 semaphore(%run_scoped3A_105 : memref<!tpu.dma_semaphore, #tpu.memory_space<semaphore_mem>>) src(%dma_wait3A_121 : memref<40xi32, #tpu.memory_space<hbm>>) dst(%dma_wait3A_120 : memref<40xi32, #tpu.memory_space<vmem>>)
      tpu.yield
    }) : () -> ()
    %dma_start3A_59 = arith.constant 1 : i32
    %dma_start3A_60 = arith.constant 128 : i32
    %dma_start3A_61 = arith.constant 0 : i32
    %dma_start3A_62 = tpu.memref_slice %arg9[%dma_start3A_60, %dma_start3A_61] : memref<256x128xf32, #tpu.memory_space<vmem>> -> memref<40x128xf32, #tpu.memory_space<vmem>>
    %dma_start3A_63 = arith.constant 0 : i32
    %dma_start3A_64 = tpu.memref_slice %arg7[%dma_start3A_59, %dma_start3A_63] : memref<2x128xi32, #tpu.memory_space<vmem>> -> memref<1x40xi32, #tpu.memory_space<vmem>>
    %dma_start3A_65 = tpu.memref_squeeze %dma_start3A_64 : memref<1x40xi32, #tpu.memory_space<vmem>> -> memref<40xi32, #tpu.memory_space<vmem>>
    %dma_start3A_66 = arith.constant 0 : i32
    %dma_start3A_67 = arith.constant 0 : i32
    %dma_start3A_68 = tpu.memref_slice %arg2[%dma_start3A_66, %dma_start3A_67] : memref<50000x128xf32, #tpu.memory_space<hbm>> -> memref<50000x128xf32, #tpu.memory_space<hbm>>
    tpu.enqueue_indirect_dma source(%dma_start3A_68 : memref<50000x128xf32, #tpu.memory_space<hbm>>) target(%dma_start3A_62 : memref<40x128xf32, #tpu.memory_space<vmem>>) offsets(%dma_start3A_65 : memref<40xi32, #tpu.memory_space<vmem>>) semaphore(%arg11 : memref<!tpu.dma_semaphore, #tpu.memory_space<semaphore_mem>>)
    %dma_start3A_69 = arith.constant 1 : i32
    %dma_start3A_70 = arith.constant 128 : i32
    %dma_start3A_71 = arith.constant 0 : i32
    %dma_start3A_72 = tpu.memref_slice %arg10[%dma_start3A_70, %dma_start3A_71] : memref<256x128xf32, #tpu.memory_space<vmem>> -> memref<40x128xf32, #tpu.memory_space<vmem>>
    %dma_start3A_73 = arith.constant 0 : i32
    %dma_start3A_74 = tpu.memref_slice %arg8[%dma_start3A_69, %dma_start3A_73] : memref<2x128xi32, #tpu.memory_space<vmem>> -> memref<1x40xi32, #tpu.memory_space<vmem>>
    %dma_start3A_75 = tpu.memref_squeeze %dma_start3A_74 : memref<1x40xi32, #tpu.memory_space<vmem>> -> memref<40xi32, #tpu.memory_space<vmem>>
    %dma_start3A_76 = arith.constant 0 : i32
    %dma_start3A_77 = arith.constant 0 : i32
    %dma_start3A_78 = tpu.memref_slice %arg3[%dma_start3A_76, %dma_start3A_77] : memref<50000x128xf32, #tpu.memory_space<hbm>> -> memref<50000x128xf32, #tpu.memory_space<hbm>>
    tpu.enqueue_indirect_dma source(%dma_start3A_78 : memref<50000x128xf32, #tpu.memory_space<hbm>>) target(%dma_start3A_72 : memref<40x128xf32, #tpu.memory_space<vmem>>) offsets(%dma_start3A_75 : memref<40xi32, #tpu.memory_space<vmem>>) semaphore(%arg11 : memref<!tpu.dma_semaphore, #tpu.memory_space<semaphore_mem>>)
    %dma_wait3A_79 = arith.constant 1 : i32
    %dma_wait3A_80 = arith.constant 128 : i32
    %dma_wait3A_81 = arith.constant 0 : i32
    %dma_wait3A_82 = tpu.memref_slice %arg9[%dma_wait3A_80, %dma_wait3A_81] : memref<256x128xf32, #tpu.memory_space<vmem>> -> memref<40x128xf32, #tpu.memory_space<vmem>>
    %dma_wait3A_83 = arith.constant 0 : i32
    %dma_wait3A_84 = tpu.memref_slice %arg7[%dma_wait3A_79, %dma_wait3A_83] : memref<2x128xi32, #tpu.memory_space<vmem>> -> memref<1x40xi32, #tpu.memory_space<vmem>>
    %dma_wait3A_85 = tpu.memref_squeeze %dma_wait3A_84 : memref<1x40xi32, #tpu.memory_space<vmem>> -> memref<40xi32, #tpu.memory_space<vmem>>
    %dma_wait3A_86 = arith.constant 0 : i32
    %dma_wait3A_87 = arith.constant 0 : i32
    %dma_wait3A_88 = tpu.memref_slice %arg2[%dma_wait3A_86, %dma_wait3A_87] : memref<50000x128xf32, #tpu.memory_space<hbm>> -> memref<50000x128xf32, #tpu.memory_space<hbm>>
    tpu.wait_indirect_dma semaphore(%arg11 : memref<!tpu.dma_semaphore, #tpu.memory_space<semaphore_mem>>) src(%dma_wait3A_88 : memref<50000x128xf32, #tpu.memory_space<hbm>>) dst(%dma_wait3A_82 : memref<40x128xf32, #tpu.memory_space<vmem>>)
    %dma_wait3A_89 = arith.constant 1 : i32
    %dma_wait3A_90 = arith.constant 128 : i32
    %dma_wait3A_91 = arith.constant 0 : i32
    %dma_wait3A_92 = tpu.memref_slice %arg10[%dma_wait3A_90, %dma_wait3A_91] : memref<256x128xf32, #tpu.memory_space<vmem>> -> memref<40x128xf32, #tpu.memory_space<vmem>>
    %dma_wait3A_93 = arith.constant 0 : i32
    %dma_wait3A_94 = tpu.memref_slice %arg8[%dma_wait3A_89, %dma_wait3A_93] : memref<2x128xi32, #tpu.memory_space<vmem>> -> memref<1x40xi32, #tpu.memory_space<vmem>>
    %dma_wait3A_95 = tpu.memref_squeeze %dma_wait3A_94 : memref<1x40xi32, #tpu.memory_space<vmem>> -> memref<40xi32, #tpu.memory_space<vmem>>
    %dma_wait3A_96 = arith.constant 0 : i32
    %dma_wait3A_97 = arith.constant 0 : i32
    %dma_wait3A_98 = tpu.memref_slice %arg3[%dma_wait3A_96, %dma_wait3A_97] : memref<50000x128xf32, #tpu.memory_space<hbm>> -> memref<50000x128xf32, #tpu.memory_space<hbm>>
    tpu.wait_indirect_dma semaphore(%arg11 : memref<!tpu.dma_semaphore, #tpu.memory_space<semaphore_mem>>) src(%dma_wait3A_98 : memref<50000x128xf32, #tpu.memory_space<hbm>>) dst(%dma_wait3A_92 : memref<40x128xf32, #tpu.memory_space<vmem>>)
    %scan3A_99 = arith.constant 0 : i32
    %scan3A_100 = arith.constant 0 : i32
    %scan3A_101 = arith.constant 168 : i32
    %scan3A_102 = arith.addi %scan3A_100, %scan3A_101 : i32
    %scan3A_103 = arith.constant 1 : i32
    scf.for %scan3A_105 = %scan3A_100 to %scan3A_102 step %scan3A_103  : i32 {
      %get3A = arith.index_cast %scan3A_105 : i32 to index
      %get3A_106 = arith.constant 0 : index
      %get3A_107 = tpu.vector_load %arg9[%get3A, %get3A_106] {strides = array<i32>} : memref<256x128xf32, #tpu.memory_space<vmem>>, vector<1x16xf32>,
      %get3A_108 = vector.shape_cast %get3A_107 : vector<1x16xf32> to vector<16xf32>
      %get3A_109 = arith.index_cast %scan3A_105 : i32 to index
      %get3A_110 = arith.constant 0 : index
      %get3A_111 = tpu.vector_load %arg10[%get3A_109, %get3A_110] {strides = array<i32>} : memref<256x128xf32, #tpu.memory_space<vmem>>, vector<1x16xf32>,
      %get3A_112 = vector.shape_cast %get3A_111 : vector<1x16xf32> to vector<16xf32>
      %add3A_113 = arith.addf %get3A_108, %get3A_112 : vector<16xf32>
      %swap3A = arith.index_cast %scan3A_105 : i32 to index
      %swap3A_114 = arith.constant 0 : index
      %swap3A_115 = tpu.vector_load %arg9[%swap3A, %swap3A_114] {strides = array<i32>} : memref<256x128xf32, #tpu.memory_space<vmem>>, vector<1x16xf32>,
      %swap3A_116 = vector.shape_cast %swap3A_115 : vector<1x16xf32> to vector<16xf32>
      %swap3A_117 = vector.shape_cast %add3A_113 : vector<16xf32> to vector<1x16xf32>
      tpu.vector_store %arg9[%swap3A, %swap3A_114], %swap3A_117 {strides = array<i32>} : memref<256x128xf32, #tpu.memory_space<vmem>>, vector<1x16xf32>,
      %get3A_118 = arith.index_cast %scan3A_105 : i32 to index
      %get3A_119 = arith.constant 16 : index
      %get3A_120 = tpu.vector_load %arg9[%get3A_118, %get3A_119] {strides = array<i32>} : memref<256x128xf32, #tpu.memory_space<vmem>>, vector<1x16xf32>,
      %get3A_121 = vector.shape_cast %get3A_120 : vector<1x16xf32> to vector<16xf32>
      %get3A_122 = arith.index_cast %scan3A_105 : i32 to index
      %get3A_123 = arith.constant 16 : index
      %get3A_124 = tpu.vector_load %arg10[%get3A_122, %get3A_123] {strides = array<i32>} : memref<256x128xf32, #tpu.memory_space<vmem>>, vector<1x16xf32>,
      %get3A_125 = vector.shape_cast %get3A_124 : vector<1x16xf32> to vector<16xf32>
      %add3A_126 = arith.addf %get3A_121, %get3A_125 : vector<16xf32>
      %swap3A_127 = arith.index_cast %scan3A_105 : i32 to index
      %swap3A_128 = arith.constant 16 : index
      %swap3A_129 = tpu.vector_load %arg9[%swap3A_127, %swap3A_128] {strides = array<i32>} : memref<256x128xf32, #tpu.memory_space<vmem>>, vector<1x16xf32>,
      %swap3A_130 = vector.shape_cast %swap3A_129 : vector<1x16xf32> to vector<16xf32>
      %swap3A_131 = vector.shape_cast %add3A_126 : vector<16xf32> to vector<1x16xf32>
      tpu.vector_store %arg9[%swap3A_127, %swap3A_128], %swap3A_131 {strides = array<i32>} : memref<256x128xf32, #tpu.memory_space<vmem>>, vector<1x16xf32>,
      %get3A_132 = arith.index_cast %scan3A_105 : i32 to index
      %get3A_133 = arith.constant 32 : index
      %get3A_134 = tpu.vector_load %arg9[%get3A_132, %get3A_133] {strides = array<i32>} : memref<256x128xf32, #tpu.memory_space<vmem>>, vector<1x16xf32>,
      %get3A_135 = vector.shape_cast %get3A_134 : vector<1x16xf32> to vector<16xf32>
      %get3A_136 = arith.index_cast %scan3A_105 : i32 to index
      %get3A_137 = arith.constant 32 : index
      %get3A_138 = tpu.vector_load %arg10[%get3A_136, %get3A_137] {strides = array<i32>} : memref<256x128xf32, #tpu.memory_space<vmem>>, vector<1x16xf32>,
      %get3A_139 = vector.shape_cast %get3A_138 : vector<1x16xf32> to vector<16xf32>
      %add3A_140 = arith.addf %get3A_135, %get3A_139 : vector<16xf32>
      %swap3A_141 = arith.index_cast %scan3A_105 : i32 to index
      %swap3A_142 = arith.constant 32 : index
      %swap3A_143 = tpu.vector_load %arg9[%swap3A_141, %swap3A_142] {strides = array<i32>} : memref<256x128xf32, #tpu.memory_space<vmem>>, vector<1x16xf32>,
      %swap3A_144 = vector.shape_cast %swap3A_143 : vector<1x16xf32> to vector<16xf32>
      %swap3A_145 = vector.shape_cast %add3A_140 : vector<16xf32> to vector<1x16xf32>
      tpu.vector_store %arg9[%swap3A_141, %swap3A_142], %swap3A_145 {strides = array<i32>} : memref<256x128xf32, #tpu.memory_space<vmem>>, vector<1x16xf32>,
      %get3A_146 = arith.index_cast %scan3A_105 : i32 to index
      %get3A_147 = arith.constant 48 : index
      %get3A_148 = tpu.vector_load %arg9[%get3A_146, %get3A_147] {strides = array<i32>} : memref<256x128xf32, #tpu.memory_space<vmem>>, vector<1x16xf32>,
      %get3A_149 = vector.shape_cast %get3A_148 : vector<1x16xf32> to vector<16xf32>
      %get3A_150 = arith.index_cast %scan3A_105 : i32 to index
      %get3A_151 = arith.constant 48 : index
      %get3A_152 = tpu.vector_load %arg10[%get3A_150, %get3A_151] {strides = array<i32>} : memref<256x128xf32, #tpu.memory_space<vmem>>, vector<1x16xf32>,
      %get3A_153 = vector.shape_cast %get3A_152 : vector<1x16xf32> to vector<16xf32>
      %add3A_154 = arith.addf %get3A_149, %get3A_153 : vector<16xf32>
      %swap3A_155 = arith.index_cast %scan3A_105 : i32 to index
      %swap3A_156 = arith.constant 48 : index
      %swap3A_157 = tpu.vector_load %arg9[%swap3A_155, %swap3A_156] {strides = array<i32>} : memref<256x128xf32, #tpu.memory_space<vmem>>, vector<1x16xf32>,
      %swap3A_158 = vector.shape_cast %swap3A_157 : vector<1x16xf32> to vector<16xf32>
      %swap3A_159 = vector.shape_cast %add3A_154 : vector<16xf32> to vector<1x16xf32>
      tpu.vector_store %arg9[%swap3A_155, %swap3A_156], %swap3A_159 {strides = array<i32>} : memref<256x128xf32, #tpu.memory_space<vmem>>, vector<1x16xf32>,
      %get3A_160 = arith.index_cast %scan3A_105 : i32 to index
      %get3A_161 = arith.constant 64 : index
      %get3A_162 = tpu.vector_load %arg9[%get3A_160, %get3A_161] {strides = array<i32>} : memref<256x128xf32, #tpu.memory_space<vmem>>, vector<1x16xf32>,
      %get3A_163 = vector.shape_cast %get3A_162 : vector<1x16xf32> to vector<16xf32>
      %get3A_164 = arith.index_cast %scan3A_105 : i32 to index
      %get3A_165 = arith.constant 64 : index
      %get3A_166 = tpu.vector_load %arg10[%get3A_164, %get3A_165] {strides = array<i32>} : memref<256x128xf32, #tpu.memory_space<vmem>>, vector<1x16xf32>,
      %get3A_167 = vector.shape_cast %get3A_166 : vector<1x16xf32> to vector<16xf32>
      %add3A_168 = arith.addf %get3A_163, %get3A_167 : vector<16xf32>
      %swap3A_169 = arith.index_cast %scan3A_105 : i32 to index
      %swap3A_170 = arith.constant 64 : index
      %swap3A_171 = tpu.vector_load %arg9[%swap3A_169, %swap3A_170] {strides = array<i32>} : memref<256x128xf32, #tpu.memory_space<vmem>>, vector<1x16xf32>,
      %swap3A_172 = vector.shape_cast %swap3A_171 : vector<1x16xf32> to vector<16xf32>
      %swap3A_173 = vector.shape_cast %add3A_168 : vector<16xf32> to vector<1x16xf32>
      tpu.vector_store %arg9[%swap3A_169, %swap3A_170], %swap3A_173 {strides = array<i32>} : memref<256x128xf32, #tpu.memory_space<vmem>>, vector<1x16xf32>,
      %get3A_174 = arith.index_cast %scan3A_105 : i32 to index
      %get3A_175 = arith.constant 80 : index
      %get3A_176 = tpu.vector_load %arg9[%get3A_174, %get3A_175] {strides = array<i32>} : memref<256x128xf32, #tpu.memory_space<vmem>>, vector<1x16xf32>,
      %get3A_177 = vector.shape_cast %get3A_176 : vector<1x16xf32> to vector<16xf32>
      %get3A_178 = arith.index_cast %scan3A_105 : i32 to index
      %get3A_179 = arith.constant 80 : index
      %get3A_180 = tpu.vector_load %arg10[%get3A_178, %get3A_179] {strides = array<i32>} : memref<256x128xf32, #tpu.memory_space<vmem>>, vector<1x16xf32>,
      %get3A_181 = vector.shape_cast %get3A_180 : vector<1x16xf32> to vector<16xf32>
      %add3A_182 = arith.addf %get3A_177, %get3A_181 : vector<16xf32>
      %swap3A_183 = arith.index_cast %scan3A_105 : i32 to index
      %swap3A_184 = arith.constant 80 : index
      %swap3A_185 = tpu.vector_load %arg9[%swap3A_183, %swap3A_184] {strides = array<i32>} : memref<256x128xf32, #tpu.memory_space<vmem>>, vector<1x16xf32>,
      %swap3A_186 = vector.shape_cast %swap3A_185 : vector<1x16xf32> to vector<16xf32>
      %swap3A_187 = vector.shape_cast %add3A_182 : vector<16xf32> to vector<1x16xf32>
      tpu.vector_store %arg9[%swap3A_183, %swap3A_184], %swap3A_187 {strides = array<i32>} : memref<256x128xf32, #tpu.memory_space<vmem>>, vector<1x16xf32>,
      %get3A_188 = arith.index_cast %scan3A_105 : i32 to index
      %get3A_189 = arith.constant 96 : index
      %get3A_190 = tpu.vector_load %arg9[%get3A_188, %get3A_189] {strides = array<i32>} : memref<256x128xf32, #tpu.memory_space<vmem>>, vector<1x16xf32>,
      %get3A_191 = vector.shape_cast %get3A_190 : vector<1x16xf32> to vector<16xf32>
      %get3A_192 = arith.index_cast %scan3A_105 : i32 to index
      %get3A_193 = arith.constant 96 : index
      %get3A_194 = tpu.vector_load %arg10[%get3A_192, %get3A_193] {strides = array<i32>} : memref<256x128xf32, #tpu.memory_space<vmem>>, vector<1x16xf32>,
      %get3A_195 = vector.shape_cast %get3A_194 : vector<1x16xf32> to vector<16xf32>
      %add3A_196 = arith.addf %get3A_191, %get3A_195 : vector<16xf32>
      %swap3A_197 = arith.index_cast %scan3A_105 : i32 to index
      %swap3A_198 = arith.constant 96 : index
      %swap3A_199 = tpu.vector_load %arg9[%swap3A_197, %swap3A_198] {strides = array<i32>} : memref<256x128xf32, #tpu.memory_space<vmem>>, vector<1x16xf32>,
      %swap3A_200 = vector.shape_cast %swap3A_199 : vector<1x16xf32> to vector<16xf32>
      %swap3A_201 = vector.shape_cast %add3A_196 : vector<16xf32> to vector<1x16xf32>
      tpu.vector_store %arg9[%swap3A_197, %swap3A_198], %swap3A_201 {strides = array<i32>} : memref<256x128xf32, #tpu.memory_space<vmem>>, vector<1x16xf32>,
      %get3A_202 = arith.index_cast %scan3A_105 : i32 to index
      %get3A_203 = arith.constant 112 : index
      %get3A_204 = tpu.vector_load %arg9[%get3A_202, %get3A_203] {strides = array<i32>} : memref<256x128xf32, #tpu.memory_space<vmem>>, vector<1x16xf32>,
      %get3A_205 = vector.shape_cast %get3A_204 : vector<1x16xf32> to vector<16xf32>
      %get3A_206 = arith.index_cast %scan3A_105 : i32 to index
      %get3A_207 = arith.constant 112 : index
      %get3A_208 = tpu.vector_load %arg10[%get3A_206, %get3A_207] {strides = array<i32>} : memref<256x128xf32, #tpu.memory_space<vmem>>, vector<1x16xf32>,
      %get3A_209 = vector.shape_cast %get3A_208 : vector<1x16xf32> to vector<16xf32>
      %add3A_210 = arith.addf %get3A_205, %get3A_209 : vector<16xf32>
      %swap3A_211 = arith.index_cast %scan3A_105 : i32 to index
      %swap3A_212 = arith.constant 112 : index
      %swap3A_213 = tpu.vector_load %arg9[%swap3A_211, %swap3A_212] {strides = array<i32>} : memref<256x128xf32, #tpu.memory_space<vmem>>, vector<1x16xf32>,
      %swap3A_214 = vector.shape_cast %swap3A_213 : vector<1x16xf32> to vector<16xf32>
      %swap3A_215 = vector.shape_cast %add3A_210 : vector<16xf32> to vector<1x16xf32>
      tpu.vector_store %arg9[%swap3A_211, %swap3A_212], %swap3A_215 {strides = array<i32>} : memref<256x128xf32, #tpu.memory_space<vmem>>, vector<1x16xf32>,
    }
    %scan3A_104 = arith.constant 168 : i32
    "tpu.region"() ({
      %run_scoped3A_105 = tpu.sem_alloc : memref<!tpu.dma_semaphore, #tpu.memory_space<semaphore_mem>>
      %dma_start3A_106 = arith.constant 0 : i32
      %dma_start3A_107 = arith.constant 0 : i32
      %dma_start3A_108 = tpu.memref_slice %arg9[%dma_start3A_106, %dma_start3A_107] : memref<256x128xf32, #tpu.memory_space<vmem>> -> memref<168x128xf32, #tpu.memory_space<vmem>>
      %dma_start3A_109 = arith.constant 0 : i32
      %dma_start3A_110 = tpu.memref_slice %arg6[%add3A_9, %dma_start3A_109] : memref<800000x128xf32, #tpu.memory_space<hbm>> -> memref<168x128xf32, #tpu.memory_space<hbm>>
      %dma_start3A_111 = arith.constant 0 : i32
      %dma_start3A_112 = tpu.memref_slice %arg6[%add3A_9, %dma_start3A_111] : memref<800000x128xf32, #tpu.memory_space<hbm>> -> memref<168x128xf32, #tpu.memory_space<hbm>>
      %dma_start3A_113 = arith.constant 0 : i32
      %dma_start3A_114 = arith.constant 0 : i32
      %dma_start3A_115 = tpu.memref_slice %arg9[%dma_start3A_113, %dma_start3A_114] : memref<256x128xf32, #tpu.memory_space<vmem>> -> memref<168x128xf32, #tpu.memory_space<vmem>>
      tpu.enqueue_dma source(%dma_start3A_115 : memref<168x128xf32, #tpu.memory_space<vmem>>) target(%dma_start3A_112 : memref<168x128xf32, #tpu.memory_space<hbm>>) target_semaphore(%run_scoped3A_105 : memref<!tpu.dma_semaphore, #tpu.memory_space<semaphore_mem>>)
      %dma_wait3A_116 = arith.constant 0 : i32
      %dma_wait3A_117 = arith.constant 0 : i32
      %dma_wait3A_118 = tpu.memref_slice %arg9[%dma_wait3A_116, %dma_wait3A_117] : memref<256x128xf32, #tpu.memory_space<vmem>> -> memref<168x128xf32, #tpu.memory_space<vmem>>
      %dma_wait3A_119 = arith.constant 0 : i32
      %dma_wait3A_120 = tpu.memref_slice %arg6[%add3A_9, %dma_wait3A_119] : memref<800000x128xf32, #tpu.memory_space<hbm>> -> memref<168x128xf32, #tpu.memory_space<hbm>>
      %dma_wait3A_121 = arith.constant 0 : i32
      %dma_wait3A_122 = tpu.memref_slice %arg6[%add3A_9, %dma_wait3A_121] : memref<800000x128xf32, #tpu.memory_space<hbm>> -> memref<168x128xf32, #tpu.memory_space<hbm>>
      %dma_wait3A_123 = arith.constant 0 : i32
      %dma_wait3A_124 = arith.constant 0 : i32
      %dma_wait3A_125 = tpu.memref_slice %arg9[%dma_wait3A_123, %dma_wait3A_124] : memref<256x128xf32, #tpu.memory_space<vmem>> -> memref<168x128xf32, #tpu.memory_space<vmem>>
      tpu.wait_dma2 semaphore(%run_scoped3A_105 : memref<!tpu.dma_semaphore, #tpu.memory_space<semaphore_mem>>) src(%dma_wait3A_125 : memref<168x128xf32, #tpu.memory_space<vmem>>) dst(%dma_wait3A_122 : memref<168x128xf32, #tpu.memory_space<hbm>>)
      tpu.yield
    }) : () -> ()
    return
  }
}

module attributes {stable_mosaic.version = 14 : i64} {
  func.func @body(%arg0: i32, %arg1: memref<2000x128xf32, #tpu.memory_space<vmem>>, %arg2: memref<128x64xf32, #tpu.memory_space<vmem>>, %arg3: memref<1x64xf32, #tpu.memory_space<vmem>>, %arg4: memref<64x128xf32, #tpu.memory_space<vmem>>, %arg5: memref<64x128xf32, #tpu.memory_space<vmem>>, %arg6: memref<2000x64xf32, #tpu.memory_space<vmem>>, %arg7: memref<2000x128xf32, #tpu.memory_space<vmem>>, %arg8: memref<2000x128xf32, #tpu.memory_space<vmem>>) attributes {dimension_semantics = [#tpu.dimension_semantics<arbitrary>], iteration_bounds = array<i64: 25>, scalar_prefetch = 0 : i64, scratch_operands = 0 : i64, tpu.core_type = #tpu.core_type<tc>, window_params = [{transform_indices = @transform_0, window_bounds = array<i64: 2000, 128>}, {pipeline_mode = #tpu.pipeline_mode<synchronous>, transform_indices = @transform_1, window_bounds = array<i64: 128, 64>}, {pipeline_mode = #tpu.pipeline_mode<synchronous>, transform_indices = @transform_2, window_bounds = array<i64: 1, 64>}, {pipeline_mode = #tpu.pipeline_mode<synchronous>, transform_indices = @transform_3, window_bounds = array<i64: 64, 128>}, {pipeline_mode = #tpu.pipeline_mode<synchronous>, transform_indices = @transform_4, window_bounds = array<i64: 64, 128>}, {transform_indices = @transform_5, window_bounds = array<i64: 2000, 64>}, {transform_indices = @transform_6, window_bounds = array<i64: 2000, 128>}, {transform_indices = @transform_7, window_bounds = array<i64: 2000, 128>}]} {
    %get3A = arith.constant 0 : index
    %get3A_0 = arith.constant 0 : index
    %get3A_1 = vector.load %arg1[%get3A, %get3A_0] : memref<2000x128xf32, #tpu.memory_space<vmem>>, vector<2000x128xf32>
    %get3A_2 = arith.constant 0 : index
    %get3A_3 = arith.constant 0 : index
    %get3A_4 = vector.load %arg2[%get3A_2, %get3A_3] : memref<128x64xf32, #tpu.memory_space<vmem>>, vector<128x64xf32>
    %dot_general3A = arith.constant dense<0.000000e+00> : vector<2000x64xf32>
    %dot_general3A_5 = tpu.matmul %get3A_1, %get3A_4, %dot_general3A {dimension_numbers = #tpu.dot_dimension_numbers<[1], [0], [0], [1], [0, 0, 1, 1], [], []>, transpose_lhs_hint = false} : vector<2000x128xf32>, vector<128x64xf32>, vector<2000x64xf32> -> vector<2000x64xf32>
    %get3A_6 = arith.constant 0 : index
    %get3A_7 = arith.constant 0 : index
    %get3A_8 = vector.load %arg3[%get3A_6, %get3A_7] : memref<1x64xf32, #tpu.memory_space<vmem>>, vector<1x64xf32>
    %add3A = vector.broadcast %get3A_8 : vector<1x64xf32> to vector<2000x64xf32>
    %add3A_9 = arith.addf %dot_general3A_5, %add3A : vector<2000x64xf32>
    %max3A = arith.constant 0.000000e+00 : f32
    %max3A_10 = vector.broadcast %max3A : f32 to vector<2000x64xf32>
    %max3A_11 = arith.maximumf %add3A_9, %max3A_10 : vector<2000x64xf32>
    %abs3A = math.absf %add3A_9 : vector<2000x64xf32>
    %neg3A = arith.constant 0.000000e+00 : f32
    %neg3A_12 = vector.broadcast %neg3A : f32 to vector<2000x64xf32>
    %neg3A_13 = arith.subf %neg3A_12, %abs3A : vector<2000x64xf32>
    %exp3A = math.exp %neg3A_13 : vector<2000x64xf32>
    %log1p3A = math.log1p %exp3A : vector<2000x64xf32>
    %add3A_14 = arith.addf %max3A_11, %log1p3A : vector<2000x64xf32>
    %swap3A = arith.constant 0 : index
    %swap3A_15 = arith.constant 0 : index
    %swap3A_16 = vector.load %arg6[%swap3A, %swap3A_15] : memref<2000x64xf32, #tpu.memory_space<vmem>>, vector<2000x64xf32>
    tpu.vector_store %arg6[%swap3A, %swap3A_15], %add3A_14 {strides = array<i32>} : memref<2000x64xf32, #tpu.memory_space<vmem>>, vector<2000x64xf32>,
    %get3A_17 = arith.constant 0 : index
    %get3A_18 = arith.constant 0 : index
    %get3A_19 = vector.load %arg4[%get3A_17, %get3A_18] : memref<64x128xf32, #tpu.memory_space<vmem>>, vector<64x128xf32>
    %dot_general3A_20 = arith.constant dense<0.000000e+00> : vector<2000x128xf32>
    %dot_general3A_21 = tpu.matmul %add3A_14, %get3A_19, %dot_general3A_20 {dimension_numbers = #tpu.dot_dimension_numbers<[1], [0], [0], [1], [0, 0, 1, 1], [], []>, transpose_lhs_hint = false} : vector<2000x64xf32>, vector<64x128xf32>, vector<2000x128xf32> -> vector<2000x128xf32>
    %swap3A_22 = arith.constant 0 : index
    %swap3A_23 = arith.constant 0 : index
    %swap3A_24 = vector.load %arg7[%swap3A_22, %swap3A_23] : memref<2000x128xf32, #tpu.memory_space<vmem>>, vector<2000x128xf32>
    tpu.vector_store %arg7[%swap3A_22, %swap3A_23], %dot_general3A_21 {strides = array<i32>} : memref<2000x128xf32, #tpu.memory_space<vmem>>, vector<2000x128xf32>,
    %get3A_25 = arith.constant 0 : index
    %get3A_26 = arith.constant 0 : index
    %get3A_27 = vector.load %arg5[%get3A_25, %get3A_26] : memref<64x128xf32, #tpu.memory_space<vmem>>, vector<64x128xf32>
    %dot_general3A_28 = arith.constant dense<0.000000e+00> : vector<2000x128xf32>
    %dot_general3A_29 = tpu.matmul %add3A_14, %get3A_27, %dot_general3A_28 {dimension_numbers = #tpu.dot_dimension_numbers<[1], [0], [0], [1], [0, 0, 1, 1], [], []>, transpose_lhs_hint = false} : vector<2000x64xf32>, vector<64x128xf32>, vector<2000x128xf32> -> vector<2000x128xf32>
    %swap3A_30 = arith.constant 0 : index
    %swap3A_31 = arith.constant 0 : index
    %swap3A_32 = vector.load %arg8[%swap3A_30, %swap3A_31] : memref<2000x128xf32, #tpu.memory_space<vmem>>, vector<2000x128xf32>
    tpu.vector_store %arg8[%swap3A_30, %swap3A_31], %dot_general3A_29 {strides = array<i32>} : memref<2000x128xf32, #tpu.memory_space<vmem>>, vector<2000x128xf32>,
    return
  }
  func.func @transform_0(%arg0: i32) -> (i32, i32) {
    %c0_i32 = arith.constant 0 : i32
    %c0_i32_0 = arith.constant 0 : i32
    return %arg0, %c0_i32 : i32, i32
  }
  func.func @transform_1(%arg0: i32) -> (i32, i32) {
    %c0_i32 = arith.constant 0 : i32
    %c0_i32_0 = arith.constant 0 : i32
    %c0_i32_1 = arith.constant 0 : i32
    return %c0_i32, %c0_i32_0 : i32, i32
  }
  func.func @transform_2(%arg0: i32) -> (i32, i32) {
    %c0_i32 = arith.constant 0 : i32
    %c0_i32_0 = arith.constant 0 : i32
    %c0_i32_1 = arith.constant 0 : i32
    return %c0_i32, %c0_i32_0 : i32, i32
  }
  func.func @transform_3(%arg0: i32) -> (i32, i32) {
    %c0_i32 = arith.constant 0 : i32
    %c0_i32_0 = arith.constant 0 : i32
    %c0_i32_1 = arith.constant 0 : i32
    return %c0_i32, %c0_i32_0 : i32, i32
  }
  func.func @transform_4(%arg0: i32) -> (i32, i32) {
    %c0_i32 = arith.constant 0 : i32
    %c0_i32_0 = arith.constant 0 : i32
    %c0_i32_1 = arith.constant 0 : i32
    return %c0_i32, %c0_i32_0 : i32, i32
  }
  func.func @transform_5(%arg0: i32) -> (i32, i32) {
    %c0_i32 = arith.constant 0 : i32
    %c0_i32_0 = arith.constant 0 : i32
    return %arg0, %c0_i32 : i32, i32
  }
  func.func @transform_6(%arg0: i32) -> (i32, i32) {
    %c0_i32 = arith.constant 0 : i32
    %c0_i32_0 = arith.constant 0 : i32
    return %arg0, %c0_i32 : i32, i32
  }
  func.func @transform_7(%arg0: i32) -> (i32, i32) {
    %c0_i32 = arith.constant 0 : i32
    %c0_i32_0 = arith.constant 0 : i32
    return %arg0, %c0_i32 : i32, i32
  }
}

module attributes {stable_mosaic.version = 14 : i64} {
  func.func @body(%arg0: i32, %arg1: memref<2000x128xf32, #tpu.memory_space<vmem>>, %arg2: memref<2000x16xf32, #tpu.memory_space<vmem>>, %arg3: memref<16x128xf32, #tpu.memory_space<vmem>>, %arg4: memref<1x128xf32, #tpu.memory_space<vmem>>, %arg5: memref<4x2000x16xf32, #tpu.memory_space<vmem>>) attributes {dimension_semantics = [#tpu.dimension_semantics<arbitrary>], iteration_bounds = array<i64: 400>, scalar_prefetch = 0 : i64, scratch_operands = 0 : i64, tpu.core_type = #tpu.core_type<tc>, window_params = [{transform_indices = @transform_0, window_bounds = array<i64: 2000, 128>}, {transform_indices = @transform_1, window_bounds = array<i64: 2000, 16>}, {pipeline_mode = #tpu.pipeline_mode<synchronous>, transform_indices = @transform_2, window_bounds = array<i64: 16, 128>}, {pipeline_mode = #tpu.pipeline_mode<synchronous>, transform_indices = @transform_3, window_bounds = array<i64: 1, 128>}, {transform_indices = @transform_4, window_bounds = array<i64: 4, 2000, 16>}]} {
    %get3A = arith.constant 0 : index
    %get3A_0 = arith.constant 0 : index
    %get3A_1 = vector.load %arg1[%get3A, %get3A_0] : memref<2000x128xf32, #tpu.memory_space<vmem>>, vector<2000x128xf32>
    %get3A_2 = arith.constant 0 : index
    %get3A_3 = arith.constant 0 : index
    %get3A_4 = vector.load %arg2[%get3A_2, %get3A_3] : memref<2000x16xf32, #tpu.memory_space<vmem>>, vector<2000x16xf32>
    %get3A_5 = arith.constant 0 : index
    %get3A_6 = arith.constant 0 : index
    %get3A_7 = vector.load %arg3[%get3A_5, %get3A_6] : memref<16x128xf32, #tpu.memory_space<vmem>>, vector<16x128xf32>
    %dot_general3A = arith.constant dense<0.000000e+00> : vector<2000x128xf32>
    %dot_general3A_8 = tpu.matmul %get3A_4, %get3A_7, %dot_general3A {dimension_numbers = #tpu.dot_dimension_numbers<[1], [0], [0], [1], [0, 0, 1, 1], [], []>, transpose_lhs_hint = false} : vector<2000x16xf32>, vector<16x128xf32>, vector<2000x128xf32> -> vector<2000x128xf32>
    %add3A = arith.addf %get3A_1, %dot_general3A_8 : vector<2000x128xf32>
    %get3A_9 = arith.constant 0 : index
    %get3A_10 = arith.constant 0 : index
    %get3A_11 = vector.load %arg4[%get3A_9, %get3A_10] : memref<1x128xf32, #tpu.memory_space<vmem>>, vector<1x128xf32>
    %add3A_12 = vector.broadcast %get3A_11 : vector<1x128xf32> to vector<2000x128xf32>
    %add3A_13 = arith.addf %add3A, %add3A_12 : vector<2000x128xf32>
    %slice3A = vector.extract_strided_slice %add3A_13 {offsets = [0, 0], sizes = [2000, 64], strides = [1, 1]} : vector<2000x128xf32> to vector<2000x64xf32>
    %slice3A_14 = vector.extract_strided_slice %add3A_13 {offsets = [0, 64], sizes = [2000, 64], strides = [1, 1]} : vector<2000x128xf32> to vector<2000x64xf32>
    %neg3A = arith.constant 0.000000e+00 : f32
    %neg3A_15 = vector.broadcast %neg3A : f32 to vector<2000x64xf32>
    %neg3A_16 = arith.subf %neg3A_15, %slice3A : vector<2000x64xf32>
    %exp3A = math.exp %neg3A_16 : vector<2000x64xf32>
    %add3A_17 = arith.constant 1.000000e+00 : f32
    %add3A_18 = vector.broadcast %add3A_17 : f32 to vector<2000x64xf32>
    %add3A_19 = arith.addf %add3A_18, %exp3A : vector<2000x64xf32>
    %div3A = arith.constant 1.000000e+00 : f32
    %div3A_20 = vector.broadcast %div3A : f32 to vector<2000x64xf32>
    %div3A_21 = arith.divf %div3A_20, %add3A_19 : vector<2000x64xf32>
    %max3A = arith.constant 0.000000e+00 : f32
    %max3A_22 = vector.broadcast %max3A : f32 to vector<2000x64xf32>
    %max3A_23 = arith.maximumf %slice3A_14, %max3A_22 : vector<2000x64xf32>
    %abs3A = math.absf %slice3A_14 : vector<2000x64xf32>
    %neg3A_24 = arith.constant 0.000000e+00 : f32
    %neg3A_25 = vector.broadcast %neg3A_24 : f32 to vector<2000x64xf32>
    %neg3A_26 = arith.subf %neg3A_25, %abs3A : vector<2000x64xf32>
    %exp3A_27 = math.exp %neg3A_26 : vector<2000x64xf32>
    %log1p3A = math.log1p %exp3A_27 : vector<2000x64xf32>
    %add3A_28 = arith.addf %max3A_23, %log1p3A : vector<2000x64xf32>
    %mul3A = arith.mulf %div3A_21, %add3A_28 : vector<2000x64xf32>
    %slice3A_29 = vector.extract_strided_slice %mul3A {offsets = [0, 0], sizes = [2000, 16], strides = [1, 1]} : vector<2000x64xf32> to vector<2000x16xf32>
    %swap3A = arith.constant 0 : index
    %swap3A_30 = arith.constant 0 : index
    %swap3A_31 = arith.constant 0 : index
    %swap3A_32 = vector.load %arg5[%swap3A, %swap3A_30, %swap3A_31] : memref<4x2000x16xf32, #tpu.memory_space<vmem>>, vector<1x2000x16xf32>
    %swap3A_33 = vector.shape_cast %swap3A_32 : vector<1x2000x16xf32> to vector<2000x16xf32>
    %swap3A_34 = vector.shape_cast %slice3A_29 : vector<2000x16xf32> to vector<1x2000x16xf32>
    tpu.vector_store %arg5[%swap3A, %swap3A_30, %swap3A_31], %swap3A_34 {strides = array<i32>} : memref<4x2000x16xf32, #tpu.memory_space<vmem>>, vector<1x2000x16xf32>,
    %slice3A_35 = vector.extract_strided_slice %mul3A {offsets = [0, 16], sizes = [2000, 16], strides = [1, 1]} : vector<2000x64xf32> to vector<2000x16xf32>
    %swap3A_36 = arith.constant 1 : index
    %swap3A_37 = arith.constant 0 : index
    %swap3A_38 = arith.constant 0 : index
    %swap3A_39 = vector.load %arg5[%swap3A_36, %swap3A_37, %swap3A_38] : memref<4x2000x16xf32, #tpu.memory_space<vmem>>, vector<1x2000x16xf32>
    %swap3A_40 = vector.shape_cast %swap3A_39 : vector<1x2000x16xf32> to vector<2000x16xf32>
    %swap3A_41 = vector.shape_cast %slice3A_35 : vector<2000x16xf32> to vector<1x2000x16xf32>
    tpu.vector_store %arg5[%swap3A_36, %swap3A_37, %swap3A_38], %swap3A_41 {strides = array<i32>} : memref<4x2000x16xf32, #tpu.memory_space<vmem>>, vector<1x2000x16xf32>,
    %slice3A_42 = vector.extract_strided_slice %mul3A {offsets = [0, 32], sizes = [2000, 16], strides = [1, 1]} : vector<2000x64xf32> to vector<2000x16xf32>
    %swap3A_43 = arith.constant 2 : index
    %swap3A_44 = arith.constant 0 : index
    %swap3A_45 = arith.constant 0 : index
    %swap3A_46 = vector.load %arg5[%swap3A_43, %swap3A_44, %swap3A_45] : memref<4x2000x16xf32, #tpu.memory_space<vmem>>, vector<1x2000x16xf32>
    %swap3A_47 = vector.shape_cast %swap3A_46 : vector<1x2000x16xf32> to vector<2000x16xf32>
    %swap3A_48 = vector.shape_cast %slice3A_42 : vector<2000x16xf32> to vector<1x2000x16xf32>
    tpu.vector_store %arg5[%swap3A_43, %swap3A_44, %swap3A_45], %swap3A_48 {strides = array<i32>} : memref<4x2000x16xf32, #tpu.memory_space<vmem>>, vector<1x2000x16xf32>,
    %slice3A_49 = vector.extract_strided_slice %mul3A {offsets = [0, 48], sizes = [2000, 16], strides = [1, 1]} : vector<2000x64xf32> to vector<2000x16xf32>
    %swap3A_50 = arith.constant 3 : index
    %swap3A_51 = arith.constant 0 : index
    %swap3A_52 = arith.constant 0 : index
    %swap3A_53 = vector.load %arg5[%swap3A_50, %swap3A_51, %swap3A_52] : memref<4x2000x16xf32, #tpu.memory_space<vmem>>, vector<1x2000x16xf32>
    %swap3A_54 = vector.shape_cast %swap3A_53 : vector<1x2000x16xf32> to vector<2000x16xf32>
    %swap3A_55 = vector.shape_cast %slice3A_49 : vector<2000x16xf32> to vector<1x2000x16xf32>
    tpu.vector_store %arg5[%swap3A_50, %swap3A_51, %swap3A_52], %swap3A_55 {strides = array<i32>} : memref<4x2000x16xf32, #tpu.memory_space<vmem>>, vector<1x2000x16xf32>,
    return
  }
  func.func @transform_0(%arg0: i32) -> (i32, i32) {
    %c0_i32 = arith.constant 0 : i32
    %c0_i32_0 = arith.constant 0 : i32
    return %arg0, %c0_i32 : i32, i32
  }
  func.func @transform_1(%arg0: i32) -> (i32, i32) {
    %c0_i32 = arith.constant 0 : i32
    %c0_i32_0 = arith.constant 0 : i32
    return %arg0, %c0_i32 : i32, i32
  }
  func.func @transform_2(%arg0: i32) -> (i32, i32) {
    %c0_i32 = arith.constant 0 : i32
    %c0_i32_0 = arith.constant 0 : i32
    %c0_i32_1 = arith.constant 0 : i32
    return %c0_i32, %c0_i32_0 : i32, i32
  }
  func.func @transform_3(%arg0: i32) -> (i32, i32) {
    %c0_i32 = arith.constant 0 : i32
    %c0_i32_0 = arith.constant 0 : i32
    %c0_i32_1 = arith.constant 0 : i32
    return %c0_i32, %c0_i32_0 : i32, i32
  }
  func.func @transform_4(%arg0: i32) -> (i32, i32, i32) {
    %c0_i32 = arith.constant 0 : i32
    %c0_i32_0 = arith.constant 0 : i32
    %c0_i32_1 = arith.constant 0 : i32
    return %c0_i32, %arg0, %c0_i32_0 : i32, i32, i32
  }
}

module attributes {stable_mosaic.version = 14 : i64} {
  func.func @body(%arg0: i32, %arg1: i32, %arg2: memref<2000x64xf32, #tpu.memory_space<vmem>>, %arg3: memref<2000x64xf32, #tpu.memory_space<vmem>>, %arg4: memref<1x64xf32, #tpu.memory_space<vmem>>, %arg5: memref<1x64xf32, #tpu.memory_space<vmem>>, %arg6: memref<2000x64xf32, #tpu.memory_space<vmem>>, %arg7: memref<2x64xf32, #tpu.memory_space<vmem>>) attributes {dimension_semantics = [#tpu.dimension_semantics<arbitrary>, #tpu.dimension_semantics<arbitrary>], iteration_bounds = array<i64: 2, 25>, scalar_prefetch = 0 : i64, scratch_operands = 1 : i64, tpu.core_type = #tpu.core_type<tc>, window_params = [{transform_indices = @transform_0, window_bounds = array<i64: 2000, 64>}, {transform_indices = @transform_1, window_bounds = array<i64: 2000, 64>}, {pipeline_mode = #tpu.pipeline_mode<synchronous>, transform_indices = @transform_2, window_bounds = array<i64: 1, 64>}, {pipeline_mode = #tpu.pipeline_mode<synchronous>, transform_indices = @transform_3, window_bounds = array<i64: 1, 64>}, {transform_indices = @transform_4, window_bounds = array<i64: 2000, 64>}]} {
    %eq3A = arith.constant 0 : i32
    %eq3A_0 = arith.cmpi eq, %arg0, %eq3A : i32
    %eq3A_1 = arith.constant 0 : i32
    %eq3A_2 = arith.cmpi eq, %arg1, %eq3A_1 : i32
    %and3A = arith.andi %eq3A_0, %eq3A_2 : i1
    %convert_element_type3A = arith.extui %and3A : i1 to i32
    %cond3A = arith.constant 0 : i32
    %cond3A_3 = arith.cmpi ne, %convert_element_type3A, %cond3A : i32
    scf.if %cond3A_3 {
      %broadcast_in_dim3A = arith.constant 0.000000e+00 : f32
      %broadcast_in_dim3A_16 = vector.broadcast %broadcast_in_dim3A : f32 to vector<2x64xf32>
      %swap3A = arith.constant 0 : index
      %swap3A_17 = arith.constant 0 : index
      %swap3A_18 = vector.load %arg7[%swap3A, %swap3A_17] : memref<2x64xf32, #tpu.memory_space<vmem>>, vector<2x64xf32>
      tpu.vector_store %arg7[%swap3A, %swap3A_17], %broadcast_in_dim3A_16 {strides = array<i32>} : memref<2x64xf32, #tpu.memory_space<vmem>>, vector<2x64xf32>,
    } else {
    }
    %get3A = arith.constant 0 : index
    %get3A_4 = arith.constant 0 : index
    %get3A_5 = vector.load %arg2[%get3A, %get3A_4] : memref<2000x64xf32, #tpu.memory_space<vmem>>, vector<2000x64xf32>
    %eq3A_6 = arith.constant 0 : i32
    %eq3A_7 = arith.cmpi eq, %arg0, %eq3A_6 : i32
    %convert_element_type3A_8 = arith.extui %eq3A_7 : i1 to i32
    %cond3A_9 = arith.constant 0 : i32
    %cond3A_10 = arith.cmpi ne, %convert_element_type3A_8, %cond3A_9 : i32
    scf.if %cond3A_10 {
      %get3A_16 = arith.constant 0 : index
      %get3A_17 = arith.constant 0 : index
      %get3A_18 = vector.load %arg7[%get3A_16, %get3A_17] : memref<2x64xf32, #tpu.memory_space<vmem>>, vector<1x64xf32>
      %get3A_19 = vector.shape_cast %get3A_18 : vector<1x64xf32> to vector<64xf32>
      %reduce_sum3A = arith.constant dense<0.000000e+00> : vector<64xf32>
      %reduce_sum3A_20 = vector.multi_reduction <add>, %get3A_5, %reduce_sum3A [0] : vector<2000x64xf32> to vector<64xf32>
      %add3A = arith.addf %get3A_19, %reduce_sum3A_20 : vector<64xf32>
      %swap3A = arith.constant 0 : index
      %swap3A_21 = arith.constant 0 : index
      %swap3A_22 = vector.load %arg7[%swap3A, %swap3A_21] : memref<2x64xf32, #tpu.memory_space<vmem>>, vector<1x64xf32>
      %swap3A_23 = vector.shape_cast %swap3A_22 : vector<1x64xf32> to vector<64xf32>
      %swap3A_24 = vector.shape_cast %add3A : vector<64xf32> to vector<1x64xf32>
      tpu.vector_store %arg7[%swap3A, %swap3A_21], %swap3A_24 {strides = array<i32>} : memref<2x64xf32, #tpu.memory_space<vmem>>, vector<1x64xf32>,
      %get3A_25 = arith.constant 1 : index
      %get3A_26 = arith.constant 0 : index
      %get3A_27 = vector.load %arg7[%get3A_25, %get3A_26] : memref<2x64xf32, #tpu.memory_space<vmem>>, vector<1x64xf32>
      %get3A_28 = vector.shape_cast %get3A_27 : vector<1x64xf32> to vector<64xf32>
      %mul3A = arith.mulf %get3A_5, %get3A_5 : vector<2000x64xf32>
      %reduce_sum3A_29 = arith.constant dense<0.000000e+00> : vector<64xf32>
      %reduce_sum3A_30 = vector.multi_reduction <add>, %mul3A, %reduce_sum3A_29 [0] : vector<2000x64xf32> to vector<64xf32>
      %add3A_31 = arith.addf %get3A_28, %reduce_sum3A_30 : vector<64xf32>
      %swap3A_32 = arith.constant 1 : index
      %swap3A_33 = arith.constant 0 : index
      %swap3A_34 = vector.load %arg7[%swap3A_32, %swap3A_33] : memref<2x64xf32, #tpu.memory_space<vmem>>, vector<1x64xf32>
      %swap3A_35 = vector.shape_cast %swap3A_34 : vector<1x64xf32> to vector<64xf32>
      %swap3A_36 = vector.shape_cast %add3A_31 : vector<64xf32> to vector<1x64xf32>
      tpu.vector_store %arg7[%swap3A_32, %swap3A_33], %swap3A_36 {strides = array<i32>} : memref<2x64xf32, #tpu.memory_space<vmem>>, vector<1x64xf32>,
      %broadcast_in_dim3A = arith.constant 0.000000e+00 : f32
      %broadcast_in_dim3A_37 = vector.broadcast %broadcast_in_dim3A : f32 to vector<2000x64xf32>
      %swap3A_38 = arith.constant 0 : index
      %swap3A_39 = arith.constant 0 : index
      %swap3A_40 = vector.load %arg6[%swap3A_38, %swap3A_39] : memref<2000x64xf32, #tpu.memory_space<vmem>>, vector<2000x64xf32>
      tpu.vector_store %arg6[%swap3A_38, %swap3A_39], %broadcast_in_dim3A_37 {strides = array<i32>} : memref<2000x64xf32, #tpu.memory_space<vmem>>, vector<2000x64xf32>,
    } else {
    }
    %eq3A_11 = arith.constant 1 : i32
    %eq3A_12 = arith.cmpi eq, %arg0, %eq3A_11 : i32
    %convert_element_type3A_13 = arith.extui %eq3A_12 : i1 to i32
    %cond3A_14 = arith.constant 0 : i32
    %cond3A_15 = arith.cmpi ne, %convert_element_type3A_13, %cond3A_14 : i32
    scf.if %cond3A_15 {
      %get3A_16 = arith.constant 0 : index
      %get3A_17 = arith.constant 0 : index
      %get3A_18 = vector.load %arg7[%get3A_16, %get3A_17] : memref<2x64xf32, #tpu.memory_space<vmem>>, vector<1x64xf32>
      %get3A_19 = vector.shape_cast %get3A_18 : vector<1x64xf32> to vector<64xf32>
      %mul3A = arith.constant 2.000000e-05 : f32
      %mul3A_20 = vector.broadcast %mul3A : f32 to vector<64xf32>
      %mul3A_21 = arith.mulf %get3A_19, %mul3A_20 : vector<64xf32>
      %get3A_22 = arith.constant 1 : index
      %get3A_23 = arith.constant 0 : index
      %get3A_24 = vector.load %arg7[%get3A_22, %get3A_23] : memref<2x64xf32, #tpu.memory_space<vmem>>, vector<1x64xf32>
      %get3A_25 = vector.shape_cast %get3A_24 : vector<1x64xf32> to vector<64xf32>
      %mul3A_26 = arith.constant 2.000000e-05 : f32
      %mul3A_27 = vector.broadcast %mul3A_26 : f32 to vector<64xf32>
      %mul3A_28 = arith.mulf %get3A_25, %mul3A_27 : vector<64xf32>
      %mul3A_29 = arith.mulf %mul3A_21, %mul3A_21 : vector<64xf32>
      %sub3A = arith.subf %mul3A_28, %mul3A_29 : vector<64xf32>
      %add3A = arith.constant 9.99999974E-6 : f32
      %add3A_30 = vector.broadcast %add3A : f32 to vector<64xf32>
      %add3A_31 = arith.addf %sub3A, %add3A_30 : vector<64xf32>
      %rsqrt3A = math.rsqrt %add3A_31 : vector<64xf32>
      %broadcast_in_dim3A = vector.shape_cast %mul3A_21 : vector<64xf32> to vector<1x64xf32>
      %sub3A_32 = vector.broadcast %broadcast_in_dim3A : vector<1x64xf32> to vector<2000x64xf32>
      %sub3A_33 = arith.subf %get3A_5, %sub3A_32 : vector<2000x64xf32>
      %broadcast_in_dim3A_34 = vector.shape_cast %rsqrt3A : vector<64xf32> to vector<1x64xf32>
      %get3A_35 = arith.constant 0 : index
      %get3A_36 = arith.constant 0 : index
      %get3A_37 = vector.load %arg4[%get3A_35, %get3A_36] : memref<1x64xf32, #tpu.memory_space<vmem>>, vector<1x64xf32>
      %mul3A_38 = arith.mulf %broadcast_in_dim3A_34, %get3A_37 : vector<1x64xf32>
      %mul3A_39 = vector.broadcast %mul3A_38 : vector<1x64xf32> to vector<2000x64xf32>
      %mul3A_40 = arith.mulf %sub3A_33, %mul3A_39 : vector<2000x64xf32>
      %get3A_41 = arith.constant 0 : index
      %get3A_42 = arith.constant 0 : index
      %get3A_43 = vector.load %arg5[%get3A_41, %get3A_42] : memref<1x64xf32, #tpu.memory_space<vmem>>, vector<1x64xf32>
      %add3A_44 = vector.broadcast %get3A_43 : vector<1x64xf32> to vector<2000x64xf32>
      %add3A_45 = arith.addf %mul3A_40, %add3A_44 : vector<2000x64xf32>
      %get3A_46 = arith.constant 0 : index
      %get3A_47 = arith.constant 0 : index
      %get3A_48 = vector.load %arg3[%get3A_46, %get3A_47] : memref<2000x64xf32, #tpu.memory_space<vmem>>, vector<2000x64xf32>
      %mul3A_49 = arith.constant 2.000000e+00 : f32
      %mul3A_50 = vector.broadcast %mul3A_49 : f32 to vector<2000x64xf32>
      %mul3A_51 = arith.mulf %mul3A_50, %get3A_48 : vector<2000x64xf32>
      %add3A_52 = arith.addf %add3A_45, %mul3A_51 : vector<2000x64xf32>
      %swap3A = arith.constant 0 : index
      %swap3A_53 = arith.constant 0 : index
      %swap3A_54 = vector.load %arg6[%swap3A, %swap3A_53] : memref<2000x64xf32, #tpu.memory_space<vmem>>, vector<2000x64xf32>
      tpu.vector_store %arg6[%swap3A, %swap3A_53], %add3A_52 {strides = array<i32>} : memref<2000x64xf32, #tpu.memory_space<vmem>>, vector<2000x64xf32>,
    } else {
    }
    return
  }
  func.func @transform_0(%arg0: i32, %arg1: i32) -> (i32, i32) {
    %c0_i32 = arith.constant 0 : i32
    %c0_i32_0 = arith.constant 0 : i32
    return %arg1, %c0_i32 : i32, i32
  }
  func.func @transform_1(%arg0: i32, %arg1: i32) -> (i32, i32) {
    %c0_i32 = arith.constant 0 : i32
    %c0_i32_0 = arith.constant 0 : i32
    return %arg1, %c0_i32 : i32, i32
  }
  func.func @transform_2(%arg0: i32, %arg1: i32) -> (i32, i32) {
    %c0_i32 = arith.constant 0 : i32
    %c0_i32_0 = arith.constant 0 : i32
    %c0_i32_1 = arith.constant 0 : i32
    return %c0_i32, %c0_i32_0 : i32, i32
  }
  func.func @transform_3(%arg0: i32, %arg1: i32) -> (i32, i32) {
    %c0_i32 = arith.constant 0 : i32
    %c0_i32_0 = arith.constant 0 : i32
    %c0_i32_1 = arith.constant 0 : i32
    return %c0_i32, %c0_i32_0 : i32, i32
  }
  func.func @transform_4(%arg0: i32, %arg1: i32) -> (i32, i32) {
    %c0_i32 = arith.constant 0 : i32
    %c0_i32_0 = arith.constant 0 : i32
    return %arg1, %c0_i32 : i32, i32
  }
}

</mosaic_0001>

<sc_bundles>
// kernel: kernel.6.cloned.1.call-start
scs
__scs_entry_jumppad:
0x0: {  	(pc) =	sbr.rel $0x88, $3  }
0x1: {  	(tag) =	ssettag $0x0;
	lr =	simm.s32 $0x1  }
0x2: {  	[smem:$0x3F96] =	sst lr;
	_ =	strace $0xD0000000  }
0x3: {  	_ = 	snop  }
0x4: {  	_ = 	snop  }
0x5: {  	_ = 	snop  }
0x6: {  	_ = 	snop  }
0x7: {  	_ = 	snop  }
__scs_overlays_trampoline_lowered:
0x8: {  	[smem:$0x3FA5] =	sst s0  }
0x9: {  	[smem:$0x3FA6] =	sst s1  }
0xa: {  	[smem:$0x3FA7] =	sst s2  }
0xb: {  	[smem:$0x3FA8] =	sst s3  }
0xc: {  	[smem:$0x3FA9] =	sst s4  }
0xd: {  	[smem:$0x3FAA] =	sst s5  }
0xe: {  	[smem:$0x3FAB] =	sst s6  }
0xf: {  	[smem:$0x3FAC] =	sst s7  }
0x10: {  	[smem:$0x3FAD] =	sst s8  }
0x11: {  	[smem:$0x3FAE] =	sst s9;
	s0 =	simm.s32 @!p0 $0x0  }
0x12: {  	s1 =	sld [smem:$0x3F94];
	s0 =	simm.s32 @p0 $0x1  }
0x13: {  	[smem:$0x3FAF] =	sst s0;
	s0 =	simm.s32 @!p1 $0x0  }
0x14: {  	s2 =	sld [smem:$0x3F93];
	s0 =	simm.s32 @p1 $0x1  }
0x15: {  	[smem:$0x3FB0] =	sst s0;
	s0 =	simm.s32 @!p2 $0x0  }
0x16: {  	s3 =	sld [smem:$0x3FDB];
	s0 =	simm.s32 @p2 $0x1  }
0x17: {  	s4 =	simm.s32 $0x1BF5;
	[smem:$0x3FB2] =	sst s0  }
0x18: {  	s0 =	sld [smem:$0x3F95];
	_ =	swait.ge [sflag:s4], $0x0  }
0x19: {  	s7 =	sld [smem:$0x3F96]  }
0x1a: {  	s8 =	sadd.s32 $0xFFFFE003, lr  }
0x1b: {  	s9 =	sadd.s32 $0xFFFFFEF7, lr;
	s5 =	simm.s32 $0xFFFFFFFF;
	p2 =	slt.u32 s8, $0xFFFFF086  }
0x1c: {  	p1 =	slt.u32 s9, $0xF7A;
	s5 =	simm.s32 @!p2 $0x0  }
0x1d: {  	s5 =	simm.s32 @p1 $0x1;
	p0 =	seq.s32 s7, s2  }
0x1e: {  	s7 =	smul.u32 @!p0 $0xF7A, s2;
	p2 =	seq.s32 @!p0 s5, $0x0  }
0x1f: {  	s9 =	smul.u32 $0xF7A, s1;
	s8 =	simm.s32 @!p0 $0x1BF5;
	p2 =	por !p2, p0  }
0x20: {  	[sflag:s8] =	ssyncset.s32 @!p0 $0xFFFFF086;
	s6 =	sadd.s32 @!p0 s3, s7;
	s7 =	simm.s32 @!p0 $0x108  }
0x21: {  	s3 =	sadd.s32 s3, s9;
	s6 =	sadd.s32 @!p0 $0x88, s6;
	s7 =	simm.s32 @p2 $0x1082  }
0x22: {  	[simem:s7], [sflag:s8] =	dma.local @!p0 [hbm:s6], $0xF7A  }
0x23: {  	s9 =	sor.u32 $0xD0000000, s2;
	s6 =	simm.s32 $0x108;
	_ =	swait.ge @!p0 [sflag:s8], $0x0  }
0x24: {  	s3 =	sadd.s32 $0x88, s3;
	s6 =	simm.s32 @!p1 $0x1082;
	[sflag:s4] =	ssyncset.s32 $0xFFFFF086  }
0x25: {  	[simem:s6], [sflag:s4] =	dma.local [hbm:s3], $0xF7A  }
0x26: {  	[smem:$0x3F96] =	sst s1;
	(tag) =	ssettag s2;
	_ =	strace s9  }
0x27: {  	s1 =	sld [smem:$0x3FA6]  }
0x28: {  	s2 =	sld [smem:$0x3FA7]  }
0x29: {  	s4 =	sld [smem:$0x3FA9]  }
0x2a: {  	p0 =	seq.s32 s5, $0x0;
	s5 =	sld [smem:$0x3FAA]  }
0x2b: {  	s6 =	sld [smem:$0x3FAB]  }
0x2c: {  	s7 =	sld [smem:$0x3FAC]  }
0x2d: {  	s3 =	simm.s32 $0x108;
	s8 =	sld [smem:$0x3FAD]  }
0x2e: {  	s3 =	simm.s32 @!p0 $0x1082;
	s9 =	sld [smem:$0x3FAE]  }
0x2f: {  	lr =	sadd.s32 s0, s3;
	s0 =	sld [smem:$0x3FA5]  }
0x30: {  	s3 =	sld [smem:$0x3FA8]  }
0x31: {  	[smem:$0x3FB1] =	sst s10  }
0x32: {  	s10 =	sld [smem:$0x3FAF];
	_ =	sdelay $0x3  }
0x33: {  	p0 =	seq.s32 s10, $0x1;
	s10 =	sld [smem:$0x3FB1];
	_ =	sdelay $0x3  }
0x34: {  	[smem:$0x3FB1] =	sst s10  }
0x35: {  	s10 =	sld [smem:$0x3FB0];
	_ =	sdelay $0x3  }
0x36: {  	p1 =	seq.s32 s10, $0x1;
	s10 =	sld [smem:$0x3FB1];
	_ =	sdelay $0x3  }
0x37: {  	[smem:$0x3FB1] =	sst s10  }
0x38: {  	s10 =	sld [smem:$0x3FB2]  }
0x39: {  	_ = 	snop;
	(pc) =	sbr.ind lr, $3  }
0x3a: {  	_ = 	snop  }
0x3b: {  	_ = 	snop  }
0x3c: {  	p2 =	seq.s32 s10, $0x1;
	s10 =	sld [smem:$0x3FB1]  }
0x3d: {  	_ =	shalt  }
0x3e: {  	_ =	shalt  }
0x3f: {  	_ =	shalt  }
0x40: {  	_ =	shalt  }
0x41: {  	_ =	shalt  }
0x42: {  	_ =	shalt  }
0x43: {  	_ =	shalt  }
0x44: {  	_ =	shalt  }
0x45: {  	_ =	shalt  }
0x46: {  	_ =	shalt  }
0x47: {  	_ =	shalt  }
0x48: {  	_ =	shalt  }
0x49: {  	_ =	shalt  }
0x4a: {  	_ =	shalt  }
0x4b: {  	_ =	shalt  }
0x4c: {  	_ =	shalt  }
0x4d: {  	_ =	shalt  }
0x4e: {  	_ =	shalt  }
0x4f: {  	_ =	shalt  }
0x50: {  	_ =	shalt  }
0x51: {  	_ =	shalt  }
0x52: {  	_ =	shalt  }
0x53: {  	_ =	shalt  }
0x54: {  	_ =	shalt  }
0x55: {  	_ =	shalt  }
0x56: {  	_ =	shalt  }
0x57: {  	_ =	shalt  }
0x58: {  	_ =	shalt  }
0x59: {  	_ =	shalt  }
0x5a: {  	_ =	shalt  }
0x5b: {  	_ =	shalt  }
0x5c: {  	_ =	shalt  }
0x5d: {  	_ =	shalt  }
0x5e: {  	_ =	shalt  }
0x5f: {  	_ =	shalt  }
0x60: {  	_ =	shalt  }
0x61: {  	_ =	shalt  }
0x62: {  	_ =	shalt  }
0x63: {  	_ =	shalt  }
0x64: {  	_ =	shalt  }
0x65: {  	_ =	shalt  }
0x66: {  	_ =	shalt  }
0x67: {  	_ =	shalt  }
0x68: {  	_ =	shalt  }
0x69: {  	_ =	shalt  }
0x6a: {  	_ =	shalt  }
0x6b: {  	_ =	shalt  }
0x6c: {  	_ =	shalt  }
0x6d: {  	_ =	shalt  }
0x6e: {  	_ =	shalt  }
0x6f: {  	_ =	shalt  }
0x70: {  	_ =	shalt  }
0x71: {  	_ =	shalt  }
0x72: {  	_ =	shalt  }
0x73: {  	_ =	shalt  }
0x74: {  	_ =	shalt  }
0x75: {  	_ =	shalt  }
0x76: {  	_ =	shalt  }
0x77: {  	_ =	shalt  }
0x78: {  	_ =	shalt  }
0x79: {  	_ =	shalt  }
0x7a: {  	_ =	shalt  }
0x7b: {  	_ =	shalt  }
0x7c: {  	_ =	shalt  }
0x7d: {  	_ =	shalt  }
0x7e: {  	_ =	shalt  }
0x7f: {  	_ =	shalt  }
0x80: {  	_ =	shalt  }
0x81: {  	_ =	shalt  }
0x82: {  	_ =	shalt  }
0x83: {  	_ =	shalt  }
0x84: {  	_ =	shalt  }
0x85: {  	_ =	shalt  }
0x86: {  	_ =	shalt  }
0x87: {  	_ =	shalt  }
.Lfunc_end0:
.L_simem_size_0:
called_computation.1_lowered:
.L_overlay_start_0:
0x88: {  	s2 =	sld [smem:$0x3FD9]  }
0x89: {  	s3 =	sld [smem:$0x3FFE];
	_ =	sdelay $0x1  }
0x8a: {  	s1 =	srdreg.scid  }
0x8b: {  	s0 =	sand.u32 $0x1, s1  }
0x8c: {  	s17 =	sshll.u32 s0, $0xA;
	s2 =	sadd.s32 s3, s2  }
0x8d: {  	s2 =	sadd.s32 s2, s17  }
0x8e: {  	[smem:$0x3FBD] =	sst s2  }
0x8f: {  	_ = 	snop  }
0x90: {  	s2 =	sld [smem:$0x3FD0];
	(tm) =	ssettm $0x1  }
0x91: {  	s18 =	sld [smem:$0x3FFB];
	_ =	sdelay $0x3  }
0x92: {  	_ =	strace s18  }
0x93: {  	s3 =	sld [smem:$0x3FFC];
	_ =	sdelay $0x3  }
0x94: {  	_ =	strace s3  }
0x95: {  	s3 =	sld [smem:$0x3FFD];
	_ =	sdelay $0x3  }
0x96: {  	_ =	strace s3  }
0x97: {  	_ =	strace $0x8FFFFFFF  }
0x98: {  	s19 =	sld [smem:$0x3FDB];
	_ =	sdelay $0x1  }
0x99: {  	s4 =	simm.s32 $_scs_section_size  }
0x9a: {  	s5 =	simm.s32 $_size__tile_overlayer_lowered;
	s6 =	simm.s32 $_tile_overlayer_lowered  }
0x9b: {  	s22 =	simm.s32 $0x1BFF;
	s21 =	sshll.u32 s6, $0x1;
	s3 =	sadd.s32 s4, s19  }
0x9c: {  	s7 =	simm.s32 $0x0;
	s20 =	sshll.u32 s5, $0x1;
	s5 =	sadd.s32 s21, s3  }
0x9d: {  	[timem:s7], [sflag:s22] =	dma.local [hbm:s5], s20  }
0x9e: {  	_ =	swait.ge [sflag:s22], s20  }
0x9f: {  	s4 =	ssub.s32 $0x0, s20;
	[sflag:s22] =	ssyncset.done $0x0  }
0xa0: {  	[sflag:s22] =	ssyncadd.s32 s4;
	_ =	sdelay $0x1  }
0xa1: {  	s23 =	simm.s32 $0x1B8B  }
0xa2: {  	_ =	swait.ge [sflag:s23], $0x1  }
0xa3: {  	[sflag:s23] =	ssyncset.done $0x0  }
0xa4: {  	s25 =	simm.s32 $0x1B8E;
	s24 =	sld [smem:$0x3FFE];
	[sflag:s23] =	ssyncadd.s32 $0xFFFFFFFF  }
0xa5: {  	s26 =	simm.s32 $execute0_lowered;
	[smem:$0x3FD2] =	sst s25  }
0xa6: {  	s5 =	sshll.u32 s26, $0x1;
	_ =	strace $0x80000046;
	[dreg:$0x1] =	wrdreg $0xFFFFFFFF  }
0xa7: {  	s28 =	simm.s32 $_size_execute0_lowered;
	s3 =	sadd.s32 s3, s5;
	[dreg:$0x0] =	wrdreg $0x0  }
0xa8: {  	s5 =	sshll.u32 s28, $0x1;
	[dreg:$0x2] =	wrdreg s3  }
0xa9: {  	[dreg:$0x3] =	wrdreg s5  }
0xaa: {  	[dreg:$0x4] =	wrdreg $0xC0  }
0xab: {  	_ =	task [dreg:s7], $0x5FFFF  }
0xac: {  	[dreg:$0x1] =	wrdreg $0xFFFFFFFF  }
0xad: {  	[dreg:$0x0] =	wrdreg $0x60  }
0xae: {  	[dreg:$0x2] =	wrdreg s24  }
0xaf: {  	[dreg:$0x3] =	wrdreg s2  }
0xb0: {  	[dreg:$0x4] =	wrdreg $0x9  }
0xb1: {  	_ =	task.clear_ibuf [dreg:s7], $0x5FFFF;
	_ =	strace $0x90000046  }
0xb2: {  	s29 =	simm.s32 $0x9;
	_ =	strace $0x80000048  }
0xb3: {  	_ =	swait.ge [sflag:s29], $0x1  }
0xb4: {  	[sflag:s29] =	ssyncadd.s32 $0xFFFFFFFF  }
0xb5: {  	_ =	strace $0x90000048  }
0xb6: {  	_ =	sfence  }
0xb7: {  	s30 =	sld [smem:$0x0];
	_ =	sdelay $0x2  }
0xb8: {  	s31 =	sshll.u32 s1, $0xD;
	s1 =	sshrl.u32 s1, $0x2  }
0xb9: {  	s3 =	sand.u32 $0x4000, s31;
	s1 =	sadd.s32 s1, s30  }
0xba: {  	s0 =	sor.u32 s3, s0;
	s1 =	sshll.u32 s1, $0x11  }
0xbb: {  	s0 =	sor.u32 s1, s0  }
0xbc: {  	s0 =	sadd.s32 $0x8F2B, s0  }
0xbd: {  	[sflag:s0] =	ssyncadd.remote.s32 $0x1  }
0xbe: {  	_ =	sfence.sel $0xFFFF  }
0xbf: {  	[dreg:$0x0] =	wrdreg $0xFFFFFFFF;
	(pc) =	sbr.abs _section_cstart, $3  }
0xc0: {  	[dreg:$0x1] =	wrdreg $0xFFFFFFFF  }
0xc1: {  	_ =	task.clear_ibuf [dreg:s7], $0x2FFFF;
	_ =	strace $0x9FFFFFFF  }
0xc2: {  	(tm) =	ssettm $0x7FFFFFFF  }
0xc3: {  	_ =	shalt  }
tec
execute0_lowered:
.L_overlay_start_1:
0x0: {  	(tag) =	ssettag $0x1  }
0x1: {  	s8 =	rddreg [dreg:$0x0];
	s1 =	srdreg.scid  }
0x2: {  	s0 =	stileid.u32;
	s2 =	rddreg [dreg:$0x1];
	s3 =	simm.s32 $0x0  }
0x3: {  	s15 =	simm.s32 $0x2;
	s16 =	simm.s32 $0x100;
	s17 =	simm.s32 $0x80  }
0x4: {  	s18 =	simm.s32 $0x200;
	s19 =	simm.s32 $0x8200;
	s20 =	simm.s32 $0x1  }
0x5: {  	s21 =	simm.s32 $0x180;
	s22 =	simm.s32 $0x4200;
	s23 =	simm.s32 $0xC200  }
0x6: {  	s24 =	simm.s32 $0x28;
	s9 =	sand.u32 $0x1, s1;
	s1 =	rddreg [dreg:$0x2]  }
0x7: {  	s25 =	simm.s32 $0x0;
	s4 =	sshll.u32 s0, $0x1;
	[smem:$0x7FF] =	sst s3  }
0x8: {  	s5 =	sadd.s32 $0x19200, s8;
	s6 =	sadd.s32 $0xDC800, s8;
	s4 =	sor.u32 s9, s4  }
0x9: {  	s7 =	sadd.s32 $0xA00, s8;
	s9 =	ssub.s32 $0x2, s9;
	s4 =	smul.u32 $0x61A8, s4  }
0xa: {  	s8 =	sadd.s32 $0x263400, s8;
	_ =	strace $0x80000047;
	s10 =	sshrl.u32 s9, $0x1  }
0xb: {  	s14 =	ssub.s32 s9, s10;
	s11 =	sadd.s32 $0x6100, s4;
	s13 =	sshrl.u32 s4, $0x3  }
0xc: {  	s14 =	smax.u32 s14, $0x1;
	s12 =	sshrl.u32 s11, $0x3;
	s30 =	sadd.s32 $0xC30, s13  }
0xd: {  	s31 =	sshll.u32 s11, $0x4;
	s9 =	sadd.s32 s7, s12;
	s10 =	sadd.s32 s2, s12  }
0xe: {  	s11 =	sadd.s32 s7, s30;
	s12 =	sadd.s32 s2, s30;
	s13 =	sadd.s32 s8, s31  }
.LBB2_1:
0xf: {  	s26 =	simm.s32 $0x0  }
.LBB2_2:
0x10: {  	s28 =	sshll.u32 s26, $0x8  }
0x11: {  	s28 =	sadd.s32 s4, s28  }
0x12: {  	s29 =	sshrl.u32 s28, $0x3  }
0x13: {  	s31 =	simm.s32 $0x0;
	s30 =	sadd.s32 s7, s29  }
0x14: {  	[tilespmem:s31], [sflag:$0x2] =	stream.linear.gather [hbm4b:s30+s31], $0x80, $0x38;
	[tilespmem:$0x10200] =	vst v63  }
0x15: {  	_ =	swait.ge [sflag:s15], $0x80  }
0x16: {  	[sflag:s15] =	ssyncset.done $0x0  }
0x17: {  	s30 =	sadd.s32 s2, s29;
	[sflag:s15] =	ssyncadd.s32 $0xFFFFFF80  }
0x18: {  	[tilespmem:s16], [sflag:$0x2] =	stream.linear.gather [hbm4b:s30+s31], $0x80, $0x38;
	[tilespmem:$0x10200] =	vst v63  }
0x19: {  	_ =	swait.ge [sflag:s15], $0x80  }
0x1a: {  	[sflag:s15] =	ssyncset.done $0x0  }
0x1b: {  	[sflag:s15] =	ssyncadd.s32 $0xFFFFFF80  }
0x1c: {  	[tilespmem:s18], [sflag:$0x1] =	stream.indirect.gather [hbm4b:s5+s17], $0x80, s31, s17, $0xb8;
	[tilespmem:$0x10200] =	vst v63  }
0x1d: {  	_ = 	snop  }
0x1e: {  	[tilespmem:s19], [sflag:$0x1] =	stream.indirect.gather [hbm4b:s6+s17], $0x80, s16, s17, $0xb8;
	[tilespmem:$0x10200] =	vst v63  }
0x1f: {  	_ =	swait.ge [sflag:s20], $0x4000  }
0x20: {  	[sflag:s20] =	ssyncset.done $0x0  }
0x21: {  	[sflag:s20] =	ssyncadd.s32 $0xFFFFC000  }
0x22: {  	_ =	swait.ge [sflag:s20], $0x4000  }
0x23: {  	s29 =	sadd.s32 $0x10, s29;
	[sflag:s20] =	ssyncset.done $0x0  }
0x24: {  	s30 =	sadd.s32 s7, s29;
	[sflag:s20] =	ssyncadd.s32 $0xFFFFC000  }
0x25: {  	[tilespmem:s17], [sflag:$0x2] =	stream.linear.gather [hbm4b:s30+s31], $0x80, $0x38;
	[tilespmem:$0x10200] =	vst v63  }
0x26: {  	_ =	swait.ge [sflag:s15], $0x80  }
0x27: {  	[sflag:s15] =	ssyncset.done $0x0  }
0x28: {  	s29 =	sadd.s32 s2, s29;
	[sflag:s15] =	ssyncadd.s32 $0xFFFFFF80  }
0x29: {  	[tilespmem:s21], [sflag:$0x2] =	stream.linear.gather [hbm4b:s29+s31], $0x80, $0x38;
	[tilespmem:$0x10200] =	vst v63  }
0x2a: {  	_ =	swait.ge [sflag:s15], $0x80  }
0x2b: {  	[sflag:s15] =	ssyncset.done $0x0  }
0x2c: {  	[sflag:s15] =	ssyncadd.s32 $0xFFFFFF80  }
0x2d: {  	[tilespmem:s22], [sflag:$0x1] =	stream.indirect.gather [hbm4b:s5+s17], $0x80, s17, s17, $0xb8;
	[tilespmem:$0x10200] =	vst v63  }
0x2e: {  	_ = 	snop  }
0x2f: {  	[tilespmem:s23], [sflag:$0x1] =	stream.indirect.gather [hbm4b:s6+s17], $0x80, s21, s17, $0xb8;
	[tilespmem:$0x10200] =	vst v63  }
0x30: {  	_ =	swait.ge [sflag:s20], $0x4000  }
0x31: {  	[sflag:s20] =	ssyncset.done $0x0  }
0x32: {  	[sflag:s20] =	ssyncadd.s32 $0xFFFFC000  }
0x33: {  	_ =	swait.ge [sflag:s20], $0x4000  }
0x34: {  	[sflag:s20] =	ssyncset.done $0x0  }
0x35: {  	s29 =	simm.s32 $0x0;
	[sflag:s20] =	ssyncadd.s32 $0xFFFFC000  }
0x36: {  	v7 =	vld [tilespmem:s29+$0x8200]  }
0x37: {  	v11 =	vld [tilespmem:s29+$0x8210]  }
0x38: {  	v5 =	vld [tilespmem:s29+$0x8220]  }
0x39: {  	v4 =	vld [tilespmem:s29+$0x8230]  }
0x3a: {  	v3 =	vld [tilespmem:s29+$0x8240]  }
0x3b: {  	v2 =	vld [tilespmem:s29+$0x8250]  }
0x3c: {  	v1 =	vld [tilespmem:s29+$0x8260]  }
0x3d: {  	v0 =	vld [tilespmem:s29+$0x8270]  }
0x3e: {  	v12 =	vld [tilespmem:s29+$0x200]  }
0x3f: {  	v13 =	vld [tilespmem:s29+$0x210]  }
0x40: {  	v10 =	vld [tilespmem:s29+$0x220]  }
0x41: {  	v9 =	vld [tilespmem:s29+$0x230]  }
0x42: {  	v8 =	vld [tilespmem:s29+$0x240]  }
0x43: {  	v6 =	vld [tilespmem:s29+$0x250];
	v12 =	vadd.f32 v7, v12  }
0x44: {  	s30 =	simm.s32 $0x200;
	v11 =	vadd.f32 v11, v13;
	v7 =	vld [tilespmem:s29+$0x260]  }
.LBB2_3:
0x45: {  	s31 =	sshra.s32 s30, $0x2;
	p0 =	sne.s32 s30, $0x1FE00;
	[tilespmem:s29+$0x200] =	vst v12;
	v5 =	vadd.f32 v5, v10;
	v10 =	vld [tilespmem:s29+$0x270]  }
0x46: {  	v12 =	vld [tilespmem:s31+$0x8200];
	[tilespmem:s29+$0x210] =	vst v11;
	v4 =	vadd.f32 v4, v9  }
0x47: {  	v11 =	vld [tilespmem:s31+$0x8210];
	[tilespmem:s29+$0x220] =	vst v5;
	v3 =	vadd.f32 v3, v8  }
0x48: {  	v5 =	vld [tilespmem:s31+$0x8220];
	[tilespmem:s29+$0x230] =	vst v4;
	v2 =	vadd.f32 v2, v6  }
0x49: {  	v4 =	vld [tilespmem:s31+$0x8230];
	[tilespmem:s29+$0x240] =	vst v3;
	v1 =	vadd.f32 v1, v7  }
0x4a: {  	v3 =	vld [tilespmem:s31+$0x8240];
	[tilespmem:s29+$0x250] =	vst v2;
	v0 =	vadd.f32 v0, v10  }
0x4b: {  	v2 =	vld [tilespmem:s31+$0x8250];
	[tilespmem:s29+$0x260] =	vst v1  }
0x4c: {  	v1 =	vld [tilespmem:s31+$0x8260];
	[tilespmem:s29+$0x270] =	vst v0;
	s29 =	smov.u32 s31  }
0x4d: {  	v0 =	vld [tilespmem:s29+$0x8270]  }
0x4e: {  	v6 =	vld [tilespmem:s29+$0x200]  }
0x4f: {  	v7 =	vld [tilespmem:s29+$0x210]  }
.Ltmp0:
0x50: {  	v10 =	vld [tilespmem:s29+$0x220];
	(pc) =	sbr.rel @p0 .LBB2_3-.Ltmp0, $4  }
0x51: {  	v9 =	vld [tilespmem:s29+$0x230]  }
0x52: {  	v8 =	vld [tilespmem:s29+$0x240]  }
0x53: {  	v12 =	vadd.f32 v12, v6;
	v6 =	vld [tilespmem:s29+$0x250]  }
0x54: {  	s30 =	sadd.s32 $0x200, s30;
	v11 =	vadd.f32 v11, v7;
	v7 =	vld [tilespmem:s29+$0x260]  }
0x55: {  	[tilespmem:s29+$0x200] =	vst v12;
	v5 =	vadd.f32 v5, v10;
	v63 =	vld [tilespmem:s29+$0x270]  }
0x56: {  	[tilespmem:s29+$0x210] =	vst v11;
	v4 =	vadd.f32 v4, v9  }
0x57: {  	[tilespmem:s29+$0x220] =	vst v5;
	v3 =	vadd.f32 v3, v8  }
0x58: {  	[tilespmem:s29+$0x230] =	vst v4;
	v2 =	vadd.f32 v2, v6  }
0x59: {  	[tilespmem:s29+$0x240] =	vst v3;
	v1 =	vadd.f32 v1, v7  }
0x5a: {  	s26 =	sadd.s32 $0x1, s26;
	[tilespmem:s29+$0x250] =	vst v2;
	v0 =	vadd.f32 v0, v63  }
0x5b: {  	s28 =	sshll.u32 s28, $0x4;
	p0 =	sne.s32 s26, $0x61;
	[tilespmem:s29+$0x260] =	vst v1  }
.Ltmp1:
0x5c: {  	s28 =	sadd.s32 s8, s28;
	[tilespmem:s29+$0x270] =	vst v0;
	(pc) =	sbr.rel @p0 .LBB2_2-.Ltmp1, $4  }
0x5d: {  	[hbm4b:s28+s3] =	stream.linear.scatter [tilespmem:s18], [sflag:$0x2], $0x8000, $0x38;
	[tilespmem:$0x10200] =	vst v63  }
0x5e: {  	_ =	swait.ge [sflag:s15], $0x8000  }
0x5f: {  	[sflag:s15] =	ssyncset.done $0x0  }
0x60: {  	[sflag:s15] =	ssyncadd.s32 $0xFFFF8000  }
0x61: {  	s26 =	simm.s32 $0x0  }
0x62: {  	[tilespmem:s26], [sflag:$0x2] =	stream.linear.gather [hbm4b:s9+s26], $0x80, $0x38;
	[tilespmem:$0x10200] =	vst v63  }
0x63: {  	_ =	swait.ge [sflag:s15], $0x80  }
0x64: {  	[sflag:s15] =	ssyncset.done $0x0  }
0x65: {  	[sflag:s15] =	ssyncadd.s32 $0xFFFFFF80  }
0x66: {  	[tilespmem:s16], [sflag:$0x2] =	stream.linear.gather [hbm4b:s10+s26], $0x80, $0x38;
	[tilespmem:$0x10200] =	vst v63  }
0x67: {  	_ =	swait.ge [sflag:s15], $0x80  }
0x68: {  	[sflag:s15] =	ssyncset.done $0x0  }
0x69: {  	[sflag:s15] =	ssyncadd.s32 $0xFFFFFF80  }
0x6a: {  	[tilespmem:s18], [sflag:$0x1] =	stream.indirect.gather [hbm4b:s5+s17], $0x80, s26, s17, $0xb8;
	[tilespmem:$0x10200] =	vst v63  }
0x6b: {  	_ = 	snop  }
0x6c: {  	[tilespmem:s19], [sflag:$0x1] =	stream.indirect.gather [hbm4b:s6+s17], $0x80, s16, s17, $0xb8;
	[tilespmem:$0x10200] =	vst v63  }
0x6d: {  	_ =	swait.ge [sflag:s20], $0x4000  }
0x6e: {  	[sflag:s20] =	ssyncset.done $0x0  }
0x6f: {  	[sflag:s20] =	ssyncadd.s32 $0xFFFFC000  }
0x70: {  	_ =	swait.ge [sflag:s20], $0x4000  }
0x71: {  	[sflag:s20] =	ssyncset.done $0x0  }
0x72: {  	[sflag:s20] =	ssyncadd.s32 $0xFFFFC000  }
0x73: {  	[tilespmem:s17], [sflag:$0x2] =	stream.linear.gather [hbm4b:s11+s26], $0x28, $0x38;
	[tilespmem:$0x10200] =	vst v63  }
0x74: {  	_ =	swait.ge [sflag:s15], $0x28  }
0x75: {  	[sflag:s15] =	ssyncset.done $0x0  }
0x76: {  	[sflag:s15] =	ssyncadd.s32 $0xFFFFFFD8  }
0x77: {  	[tilespmem:s21], [sflag:$0x2] =	stream.linear.gather [hbm4b:s12+s26], $0x28, $0x38;
	[tilespmem:$0x10200] =	vst v63  }
0x78: {  	_ =	swait.ge [sflag:s15], $0x28  }
0x79: {  	[sflag:s15] =	ssyncset.done $0x0  }
0x7a: {  	[sflag:s15] =	ssyncadd.s32 $0xFFFFFFD8  }
0x7b: {  	[tilespmem:s22], [sflag:$0x1] =	stream.indirect.gather [hbm4b:s5+s24], $0x80, s17, s24, $0xb8;
	[tilespmem:$0x10200] =	vst v63  }
0x7c: {  	_ = 	snop  }
0x7d: {  	[tilespmem:s23], [sflag:$0x1] =	stream.indirect.gather [hbm4b:s6+s24], $0x80, s21, s24, $0xb8;
	[tilespmem:$0x10200] =	vst v63  }
0x7e: {  	_ =	swait.ge [sflag:s20], $0x1400  }
0x7f: {  	[sflag:s20] =	ssyncset.done $0x0  }
0x80: {  	[sflag:s20] =	ssyncadd.s32 $0xFFFFEC00  }
0x81: {  	_ =	swait.ge [sflag:s20], $0x1400  }
0x82: {  	[sflag:s20] =	ssyncset.done $0x0  }
0x83: {  	s26 =	simm.s32 $0x0;
	[sflag:s20] =	ssyncadd.s32 $0xFFFFEC00  }
0x84: {  	v7 =	vld [tilespmem:s26+$0x8200]  }
0x85: {  	v11 =	vld [tilespmem:s26+$0x8210]  }
0x86: {  	v5 =	vld [tilespmem:s26+$0x8220]  }
0x87: {  	v4 =	vld [tilespmem:s26+$0x8230]  }
0x88: {  	v3 =	vld [tilespmem:s26+$0x8240]  }
0x89: {  	v2 =	vld [tilespmem:s26+$0x8250]  }
0x8a: {  	v1 =	vld [tilespmem:s26+$0x8260]  }
0x8b: {  	v0 =	vld [tilespmem:s26+$0x8270]  }
0x8c: {  	v12 =	vld [tilespmem:s26+$0x200]  }
0x8d: {  	v13 =	vld [tilespmem:s26+$0x210]  }
0x8e: {  	v10 =	vld [tilespmem:s26+$0x220]  }
0x8f: {  	v9 =	vld [tilespmem:s26+$0x230]  }
0x90: {  	v8 =	vld [tilespmem:s26+$0x240]  }
0x91: {  	v6 =	vld [tilespmem:s26+$0x250];
	v12 =	vadd.f32 v7, v12  }
0x92: {  	s28 =	simm.s32 $0x200;
	v11 =	vadd.f32 v11, v13;
	v7 =	vld [tilespmem:s26+$0x260]  }
.LBB2_6:
0x93: {  	s29 =	sshra.s32 s28, $0x2;
	p0 =	sne.s32 s28, $0x14E00;
	[tilespmem:s26+$0x200] =	vst v12;
	v5 =	vadd.f32 v5, v10;
	v10 =	vld [tilespmem:s26+$0x270]  }
0x94: {  	v12 =	vld [tilespmem:s29+$0x8200];
	[tilespmem:s26+$0x210] =	vst v11;
	v4 =	vadd.f32 v4, v9  }
0x95: {  	v11 =	vld [tilespmem:s29+$0x8210];
	[tilespmem:s26+$0x220] =	vst v5;
	v3 =	vadd.f32 v3, v8  }
0x96: {  	v5 =	vld [tilespmem:s29+$0x8220];
	[tilespmem:s26+$0x230] =	vst v4;
	v2 =	vadd.f32 v2, v6  }
0x97: {  	v4 =	vld [tilespmem:s29+$0x8230];
	[tilespmem:s26+$0x240] =	vst v3;
	v1 =	vadd.f32 v1, v7  }
0x98: {  	v3 =	vld [tilespmem:s29+$0x8240];
	[tilespmem:s26+$0x250] =	vst v2;
	v0 =	vadd.f32 v0, v10  }
0x99: {  	v2 =	vld [tilespmem:s29+$0x8250];
	[tilespmem:s26+$0x260] =	vst v1  }
0x9a: {  	v1 =	vld [tilespmem:s29+$0x8260];
	[tilespmem:s26+$0x270] =	vst v0;
	s26 =	smov.u32 s29  }
0x9b: {  	v0 =	vld [tilespmem:s26+$0x8270]  }
0x9c: {  	v6 =	vld [tilespmem:s26+$0x200]  }
0x9d: {  	v7 =	vld [tilespmem:s26+$0x210]  }
.Ltmp2:
0x9e: {  	v10 =	vld [tilespmem:s26+$0x220];
	(pc) =	sbr.rel @p0 .LBB2_6-.Ltmp2, $4  }
0x9f: {  	v9 =	vld [tilespmem:s26+$0x230]  }
0xa0: {  	v8 =	vld [tilespmem:s26+$0x240]  }
0xa1: {  	v12 =	vadd.f32 v12, v6;
	v6 =	vld [tilespmem:s26+$0x250]  }
0xa2: {  	s28 =	sadd.s32 $0x200, s28;
	v11 =	vadd.f32 v11, v7;
	v7 =	vld [tilespmem:s26+$0x260]  }
0xa3: {  	[tilespmem:s26+$0x200] =	vst v12;
	v5 =	vadd.f32 v5, v10;
	v63 =	vld [tilespmem:s26+$0x270]  }
0xa4: {  	[tilespmem:s26+$0x210] =	vst v11;
	v4 =	vadd.f32 v4, v9  }
0xa5: {  	[tilespmem:s26+$0x220] =	vst v5;
	v3 =	vadd.f32 v3, v8  }
0xa6: {  	[tilespmem:s26+$0x230] =	vst v4;
	v2 =	vadd.f32 v2, v6  }
0xa7: {  	[tilespmem:s26+$0x240] =	vst v3;
	v1 =	vadd.f32 v1, v7  }
0xa8: {  	s25 =	sadd.s32 $0x1, s25;
	[tilespmem:s26+$0x250] =	vst v2;
	v0 =	vadd.f32 v0, v63  }
0xa9: {  	p0 =	sne.s32 s25, s14;
	[tilespmem:s26+$0x260] =	vst v1  }
.Ltmp3:
0xaa: {  	[tilespmem:s26+$0x270] =	vst v0;
	(pc) =	sbr.rel @p0 .LBB2_1-.Ltmp3, $4  }
0xab: {  	[hbm4b:s13+s3] =	stream.linear.scatter [tilespmem:s18], [sflag:$0x2], $0x5400, $0x38;
	[tilespmem:$0x10200] =	vst v63  }
0xac: {  	_ =	swait.ge [sflag:s15], $0x5400  }
0xad: {  	[sflag:s15] =	ssyncset.done $0x0  }
0xae: {  	[sflag:s15] =	ssyncadd.s32 $0xFFFFAC00  }
0xaf: {  	_ =	sfence.sel $0x180000  }
0xb0: {  	[bflag:$0x0] =	sbarrier.arrive $0xFFFF  }
0xb1: {  	p0 =	sne.s32 s0, $0x0;
	_ =	strace $0x90000047  }
0xb2: {  	s0 =	sadd.s32 @!p0 $0x100000, s1;
	[bflag:$0x2] =	sbarrier.arrive $0xFFFF  }
0xb3: {  	[sflag:s0] =	ssyncadd.tile.s32 @!p0 $0x1;
	_ =	shalt  }
.Lfunc_end2:
_tile_overlayer_lowered:
.L_overlay_start_2:
0xb4: {  	(tag) =	ssettag $0x2  }
0xb5: {  	s0 =	rddreg [dreg:$0x0];
	s2 =	stileid.u32  }
0xb6: {  	s1 =	rddreg [dreg:$0x1];
	p0 =	sne.s32 s2, $0x0  }
0xb7: {  	s3 =	rddreg [dreg:$0x2];
	[bflag:$0x3] =	sbarrier.arrive $0xFFFF;
	s2 =	simm.s32 @!p0 $0x1C02  }
0xb8: {  	[timem:s3], [sflag:s2] =	dma.local @!p0 [hbm:s0], s1  }
0xb9: {  	s0 =	simm.s32 @!p0 $0x2  }
0xba: {  	_ =	swait.ge @!p0 [sflag:s0], s1  }
0xbb: {  	s1 =	ssub.s32 @!p0 $0x0, s1;
	[sflag:s0] =	ssyncset.done @!p0 $0x0  }
0xbc: {  	[sflag:s0] =	ssyncadd.s32 @!p0 s1  }
0xbd: {  	[bflag:$0x3] =	sbarrier.arrive $0xFFFF  }
0xbe: {  	_ =	shalt  }

// kernel: scatter_offload_async_start
scs
__scs_entry_jumppad:
0x0: {  	(pc) =	sbr.rel $0x88, $3  }
0x1: {  	(tag) =	ssettag $0x0;
	lr =	simm.s32 $0x1  }
0x2: {  	[smem:$0x3F96] =	sst lr;
	_ =	strace $0xD0000000  }
0x3: {  	_ = 	snop  }
0x4: {  	_ = 	snop  }
0x5: {  	_ = 	snop  }
0x6: {  	_ = 	snop  }
0x7: {  	_ = 	snop  }
__scs_overlays_trampoline_lowered:
0x8: {  	[smem:$0x3FA5] =	sst s0  }
0x9: {  	[smem:$0x3FA6] =	sst s1  }
0xa: {  	[smem:$0x3FA7] =	sst s2  }
0xb: {  	[smem:$0x3FA8] =	sst s3  }
0xc: {  	[smem:$0x3FA9] =	sst s4  }
0xd: {  	[smem:$0x3FAA] =	sst s5  }
0xe: {  	[smem:$0x3FAB] =	sst s6  }
0xf: {  	[smem:$0x3FAC] =	sst s7  }
0x10: {  	[smem:$0x3FAD] =	sst s8  }
0x11: {  	[smem:$0x3FAE] =	sst s9;
	s0 =	simm.s32 @!p0 $0x0  }
0x12: {  	s1 =	sld [smem:$0x3F94];
	s0 =	simm.s32 @p0 $0x1  }
0x13: {  	[smem:$0x3FAF] =	sst s0;
	s0 =	simm.s32 @!p1 $0x0  }
0x14: {  	s2 =	sld [smem:$0x3F93];
	s0 =	simm.s32 @p1 $0x1  }
0x15: {  	[smem:$0x3FB0] =	sst s0;
	s0 =	simm.s32 @!p2 $0x0  }
0x16: {  	s3 =	sld [smem:$0x3FDB];
	s0 =	simm.s32 @p2 $0x1  }
0x17: {  	s4 =	simm.s32 $0x1BF5;
	[smem:$0x3FB2] =	sst s0  }
0x18: {  	s0 =	sld [smem:$0x3F95];
	_ =	swait.ge [sflag:s4], $0x0  }
0x19: {  	s7 =	sld [smem:$0x3F96]  }
0x1a: {  	s8 =	sadd.s32 $0xFFFFE003, lr  }
0x1b: {  	s9 =	sadd.s32 $0xFFFFFEF7, lr;
	s5 =	simm.s32 $0xFFFFFFFF;
	p2 =	slt.u32 s8, $0xFFFFF086  }
0x1c: {  	p1 =	slt.u32 s9, $0xF7A;
	s5 =	simm.s32 @!p2 $0x0  }
0x1d: {  	s5 =	simm.s32 @p1 $0x1;
	p0 =	seq.s32 s7, s2  }
0x1e: {  	s7 =	smul.u32 @!p0 $0xF7A, s2;
	p2 =	seq.s32 @!p0 s5, $0x0  }
0x1f: {  	s9 =	smul.u32 $0xF7A, s1;
	s8 =	simm.s32 @!p0 $0x1BF5;
	p2 =	por !p2, p0  }
0x20: {  	[sflag:s8] =	ssyncset.s32 @!p0 $0xFFFFF086;
	s6 =	sadd.s32 @!p0 s3, s7;
	s7 =	simm.s32 @!p0 $0x108  }
0x21: {  	s3 =	sadd.s32 s3, s9;
	s6 =	sadd.s32 @!p0 $0x88, s6;
	s7 =	simm.s32 @p2 $0x1082  }
0x22: {  	[simem:s7], [sflag:s8] =	dma.local @!p0 [hbm:s6], $0xF7A  }
0x23: {  	s9 =	sor.u32 $0xD0000000, s2;
	s6 =	simm.s32 $0x108;
	_ =	swait.ge @!p0 [sflag:s8], $0x0  }
0x24: {  	s3 =	sadd.s32 $0x88, s3;
	s6 =	simm.s32 @!p1 $0x1082;
	[sflag:s4] =	ssyncset.s32 $0xFFFFF086  }
0x25: {  	[simem:s6], [sflag:s4] =	dma.local [hbm:s3], $0xF7A  }
0x26: {  	[smem:$0x3F96] =	sst s1;
	(tag) =	ssettag s2;
	_ =	strace s9  }
0x27: {  	s1 =	sld [smem:$0x3FA6]  }
0x28: {  	s2 =	sld [smem:$0x3FA7]  }
0x29: {  	s4 =	sld [smem:$0x3FA9]  }
0x2a: {  	p0 =	seq.s32 s5, $0x0;
	s5 =	sld [smem:$0x3FAA]  }
0x2b: {  	s6 =	sld [smem:$0x3FAB]  }
0x2c: {  	s7 =	sld [smem:$0x3FAC]  }
0x2d: {  	s3 =	simm.s32 $0x108;
	s8 =	sld [smem:$0x3FAD]  }
0x2e: {  	s3 =	simm.s32 @!p0 $0x1082;
	s9 =	sld [smem:$0x3FAE]  }
0x2f: {  	lr =	sadd.s32 s0, s3;
	s0 =	sld [smem:$0x3FA5]  }
0x30: {  	s3 =	sld [smem:$0x3FA8]  }
0x31: {  	[smem:$0x3FB1] =	sst s10  }
0x32: {  	s10 =	sld [smem:$0x3FAF];
	_ =	sdelay $0x3  }
0x33: {  	p0 =	seq.s32 s10, $0x1;
	s10 =	sld [smem:$0x3FB1];
	_ =	sdelay $0x3  }
0x34: {  	[smem:$0x3FB1] =	sst s10  }
0x35: {  	s10 =	sld [smem:$0x3FB0];
	_ =	sdelay $0x3  }
0x36: {  	p1 =	seq.s32 s10, $0x1;
	s10 =	sld [smem:$0x3FB1];
	_ =	sdelay $0x3  }
0x37: {  	[smem:$0x3FB1] =	sst s10  }
0x38: {  	s10 =	sld [smem:$0x3FB2]  }
0x39: {  	_ = 	snop;
	(pc) =	sbr.ind lr, $3  }
0x3a: {  	_ = 	snop  }
0x3b: {  	_ = 	snop  }
0x3c: {  	p2 =	seq.s32 s10, $0x1;
	s10 =	sld [smem:$0x3FB1]  }
0x3d: {  	_ =	shalt  }
0x3e: {  	_ =	shalt  }
0x3f: {  	_ =	shalt  }
0x40: {  	_ =	shalt  }
0x41: {  	_ =	shalt  }
0x42: {  	_ =	shalt  }
0x43: {  	_ =	shalt  }
0x44: {  	_ =	shalt  }
0x45: {  	_ =	shalt  }
0x46: {  	_ =	shalt  }
0x47: {  	_ =	shalt  }
0x48: {  	_ =	shalt  }
0x49: {  	_ =	shalt  }
0x4a: {  	_ =	shalt  }
0x4b: {  	_ =	shalt  }
0x4c: {  	_ =	shalt  }
0x4d: {  	_ =	shalt  }
0x4e: {  	_ =	shalt  }
0x4f: {  	_ =	shalt  }
0x50: {  	_ =	shalt  }
0x51: {  	_ =	shalt  }
0x52: {  	_ =	shalt  }
0x53: {  	_ =	shalt  }
0x54: {  	_ =	shalt  }
0x55: {  	_ =	shalt  }
0x56: {  	_ =	shalt  }
0x57: {  	_ =	shalt  }
0x58: {  	_ =	shalt  }
0x59: {  	_ =	shalt  }
0x5a: {  	_ =	shalt  }
0x5b: {  	_ =	shalt  }
0x5c: {  	_ =	shalt  }
0x5d: {  	_ =	shalt  }
0x5e: {  	_ =	shalt  }
0x5f: {  	_ =	shalt  }
0x60: {  	_ =	shalt  }
0x61: {  	_ =	shalt  }
0x62: {  	_ =	shalt  }
0x63: {  	_ =	shalt  }
0x64: {  	_ =	shalt  }
0x65: {  	_ =	shalt  }
0x66: {  	_ =	shalt  }
0x67: {  	_ =	shalt  }
0x68: {  	_ =	shalt  }
0x69: {  	_ =	shalt  }
0x6a: {  	_ =	shalt  }
0x6b: {  	_ =	shalt  }
0x6c: {  	_ =	shalt  }
0x6d: {  	_ =	shalt  }
0x6e: {  	_ =	shalt  }
0x6f: {  	_ =	shalt  }
0x70: {  	_ =	shalt  }
0x71: {  	_ =	shalt  }
0x72: {  	_ =	shalt  }
0x73: {  	_ =	shalt  }
0x74: {  	_ =	shalt  }
0x75: {  	_ =	shalt  }
0x76: {  	_ =	shalt  }
0x77: {  	_ =	shalt  }
0x78: {  	_ =	shalt  }
0x79: {  	_ =	shalt  }
0x7a: {  	_ =	shalt  }
0x7b: {  	_ =	shalt  }
0x7c: {  	_ =	shalt  }
0x7d: {  	_ =	shalt  }
0x7e: {  	_ =	shalt  }
0x7f: {  	_ =	shalt  }
0x80: {  	_ =	shalt  }
0x81: {  	_ =	shalt  }
0x82: {  	_ =	shalt  }
0x83: {  	_ =	shalt  }
0x84: {  	_ =	shalt  }
0x85: {  	_ =	shalt  }
0x86: {  	_ =	shalt  }
0x87: {  	_ =	shalt  }
.Lfunc_end0:
.L_simem_size_0:
called_computation_lowered:
.L_overlay_start_0:
0x88: {  	s2 =	sld [smem:$0x3FD9]  }
0x89: {  	s3 =	sld [smem:$0x3FFE];
	_ =	sdelay $0x1  }
0x8a: {  	s1 =	srdreg.scid  }
0x8b: {  	s0 =	sand.u32 $0x1, s1  }
0x8c: {  	s15 =	sshll.u32 s0, $0xA;
	s2 =	sadd.s32 s3, s2  }
0x8d: {  	s2 =	sadd.s32 s2, s15  }
0x8e: {  	[smem:$0x3FBD] =	sst s2  }
0x8f: {  	_ = 	snop  }
0x90: {  	(tm) =	ssettm $0x1  }
0x91: {  	s16 =	sld [smem:$0x3FFB];
	_ =	sdelay $0x3  }
0x92: {  	_ =	strace s16  }
0x93: {  	s2 =	sld [smem:$0x3FFC];
	_ =	sdelay $0x3  }
0x94: {  	_ =	strace s2  }
0x95: {  	s2 =	sld [smem:$0x3FFD];
	_ =	sdelay $0x3  }
0x96: {  	_ =	strace s2  }
0x97: {  	_ =	strace $0x8FFFFFFF  }
0x98: {  	s17 =	sld [smem:$0x3FDB];
	_ =	sdelay $0x1  }
0x99: {  	s18 =	simm.s32 $_scs_section_size  }
0x9a: {  	s4 =	simm.s32 $_size__tile_overlayer_lowered;
	s5 =	simm.s32 $_tile_overlayer_lowered  }
0x9b: {  	s21 =	simm.s32 $0x1BFF;
	s20 =	sshll.u32 s5, $0x1;
	s2 =	sadd.s32 s18, s17  }
0x9c: {  	s6 =	simm.s32 $0x0;
	s19 =	sshll.u32 s4, $0x1;
	s4 =	sadd.s32 s20, s2  }
0x9d: {  	[timem:s6], [sflag:s21] =	dma.local [hbm:s4], s19  }
0x9e: {  	_ =	swait.ge [sflag:s21], s19  }
0x9f: {  	s3 =	ssub.s32 $0x0, s19;
	[sflag:s21] =	ssyncset.done $0x0  }
0xa0: {  	[sflag:s21] =	ssyncadd.s32 s3;
	_ =	sdelay $0x1  }
0xa1: {  	s22 =	simm.s32 $0x1B8B  }
0xa2: {  	_ =	swait.ge [sflag:s22], $0x1  }
0xa3: {  	[sflag:s22] =	ssyncset.done $0x0  }
0xa4: {  	s23 =	sld [smem:$0x3FFE];
	[sflag:s22] =	ssyncadd.s32 $0xFFFFFFFF  }
0xa5: {  	s25 =	simm.s32 $0x1B8E;
	s24 =	sld [smem:$0x0]  }
0xa6: {  	s26 =	simm.s32 $execute0_lowered;
	[smem:$0x3FD2] =	sst s25  }
0xa7: {  	s5 =	sshll.u32 s26, $0x1;
	_ =	strace $0x80000049;
	[dreg:$0x1] =	wrdreg $0xFFFFFFFF  }
0xa8: {  	s28 =	simm.s32 $_size_execute0_lowered;
	s2 =	sadd.s32 s2, s5;
	[dreg:$0x0] =	wrdreg $0x0  }
0xa9: {  	s5 =	sshll.u32 s28, $0x1;
	[dreg:$0x2] =	wrdreg s2  }
0xaa: {  	[dreg:$0x3] =	wrdreg s5  }
0xab: {  	[dreg:$0x4] =	wrdreg $0xC0  }
0xac: {  	_ =	task [dreg:s6], $0x5FFFF  }
0xad: {  	[dreg:$0x1] =	wrdreg $0xFFFFFFFF  }
0xae: {  	[dreg:$0x0] =	wrdreg $0x60  }
0xaf: {  	[dreg:$0x2] =	wrdreg s23  }
0xb0: {  	[dreg:$0x3] =	wrdreg s1  }
0xb1: {  	[dreg:$0x4] =	wrdreg s24  }
0xb2: {  	[dreg:$0x5] =	wrdreg $0x9  }
0xb3: {  	_ =	task.clear_ibuf [dreg:s6], $0x6FFFF;
	_ =	strace $0x90000049  }
0xb4: {  	s29 =	simm.s32 $0x9;
	_ =	strace $0x8000004B  }
0xb5: {  	_ =	swait.ge [sflag:s29], $0x1  }
0xb6: {  	[sflag:s29] =	ssyncadd.s32 $0xFFFFFFFF  }
0xb7: {  	_ =	strace $0x9000004B  }
0xb8: {  	_ =	sfence  }
0xb9: {  	s30 =	sld [smem:$0x0];
	_ =	sdelay $0x2  }
0xba: {  	s31 =	sshll.u32 s1, $0xD;
	s1 =	sshrl.u32 s1, $0x2  }
0xbb: {  	s3 =	sand.u32 $0x4000, s31;
	s1 =	sadd.s32 s1, s30  }
0xbc: {  	s0 =	sor.u32 s3, s0;
	s1 =	sshll.u32 s1, $0x11  }
0xbd: {  	s0 =	sor.u32 s1, s0  }
0xbe: {  	s0 =	sadd.s32 $0x8F2B, s0  }
0xbf: {  	[sflag:s0] =	ssyncadd.remote.s32 $0x1  }
0xc0: {  	_ =	sfence.sel $0xFFFF  }
0xc1: {  	[dreg:$0x0] =	wrdreg $0xFFFFFFFF;
	(pc) =	sbr.abs _section_cstart, $3  }
0xc2: {  	[dreg:$0x1] =	wrdreg $0xFFFFFFFF  }
0xc3: {  	_ =	task.clear_ibuf [dreg:s6], $0x2FFFF;
	_ =	strace $0x9FFFFFFF  }
0xc4: {  	(tm) =	ssettm $0x7FFFFFFF  }
0xc5: {  	_ =	shalt  }
tec
execute0_lowered:
.L_overlay_start_1:
0x0: {  	(tag) =	ssettag $0x1  }
0x1: {  	s2 =	rddreg [dreg:$0x0]  }
0x2: {  	s4 =	rddreg [dreg:$0x1];
	_ =	strace $0x8000004A;
	s0 =	simm.s32 $0x1  }
0x3: {  	s3 =	simm.s32 $0x88;
	v0 =	vimm.s32 $0x0;
	[sflag:s0] =	ssyncpa.u1 $0x0  }
0x4: {  	s1 =	sadd.s32 $0xA00, s2;
	[tilespmem:s3+$0x30] =	vst v0  }
0x5: {  	s0 =	sadd.s32 $0x1ACD400, s2;
	s6 =	sadd.s32 $0x1AFE400, s2;
	[tilespmem:s3+$0x20] =	vst v0  }
0x6: {  	s2 =	sadd.s32 $0x1AE5C00, s2;
	s7 =	sand.u32 $0x1, s4;
	s4 =	simm.s32 $0x40;
	[tilespmem:s3+$0x10] =	vst v0  }
.LBB2_1:
0x7: {  	s4 =	sadd.s32 $0x40, s4  }
0x8: {  	[tilespmem:s3+$0x0] =	vst v0;
	s3 =	sadd.s32 $0x40, s3;
	p0 =	slt.u32 s4, $0x5040  }
.Ltmp0:
0x9: {  	(pc) =	sbr.rel @p0 .LBB2_1-.Ltmp0, $4  }
0xa: {  	_ = 	snop  }
0xb: {  	[tilespmem:s3+$0x30] =	vst v0  }
0xc: {  	[tilespmem:s3+$0x20] =	vst v0  }
0xd: {  	[tilespmem:s3+$0x10] =	vst v0  }
0xe: {  	s8 =	stileid.u32  }
0xf: {  	s4 =	smul.u32 $0x4E, s8  }
0x10: {  	s5 =	smin.u32 s8, $0x2  }
0x11: {  	s4 =	sadd.s32 s5, s4  }
0x12: {  	p0 =	slt.u32 s8, $0x2;
	s12 =	smul.u32 $0x140, s4;
	s4 =	simm.s32 $0x62C0  }
0x13: {  	s4 =	simm.s32 @!p0 $0x6180  }
0x14: {  	s25 =	simm.s32 $0x2;
	s4 =	sadd.s32 s4, s12  }
0x15: {  	s28 =	simm.s32 $0x9;
	s9 =	simm.s32 $0xA;
	s14 =	smin.u32 s4, $0x61A80  }
0x16: {  	s30 =	simm.s32 $0xB;
	[dreg:$0x4] =	wrdreg s7;
	s4 =	ssub.s32 s14, s12  }
0x17: {  	s31 =	smul.u32 $0xC350, s7;
	s13 =	simm.s32 $0x1;
	p0 =	sgt.s32 s4, $0x0  }
0x18: {  	s19 =	simm.s32 $0x0;
	s20 =	simm.s32 $0xA808;
	s4 =	simm.s32 @!p0 $0x0  }
0x19: {  	s21 =	simm.s32 $0xFFFFFFFF;
	p1 =	por $0x0, $0x0;
	s26 =	smulhi.u32 $0x66666667, s4  }
0x1a: {  	[tilespmem:s3+$0x0] =	vst v0;
	s23 =	simm.s32 $0x0;
	[sflag:s25] =	ssyncpa.u1 $0x0;
	s18 =	sshll.u32 s8, $0x7  }
0x1b: {  	s0 =	sadd.s32 s31, s0;
	[dreg:$0xa] =	wrdreg s18;
	s3 =	sshrl.u32 s26, $0x7  }
0x1c: {  	v0 =	vimm.s32 $0xFFFFFFFF;
	s17 =	sadd.s32 s31, s2;
	[dreg:$0x9] =	wrdreg s0;
	s29 =	smul.u32 $0x140, s3  }
0x1d: {  	s25 =	simm.s32 $0x0;
	[tilespmem:$0xA108] =	vst v0;
	[sflag:s28] =	ssyncpa.u1 $0x0;
	[dreg:$0x8] =	wrdreg s17  }
.Ltmp1:
0x1e: {  	p0 =	sne.s32 s4, s29;
	s4 =	simm.s32 $0x1;
	(pc) =	sbr.rel .LBB2_3-.Ltmp1, $4  }
0x1f: {  	[sflag:s9] =	ssyncpa.u1 $0x0;
	[dreg:$0x5] =	wrdreg s12;
	s4 =	simm.s32 @!p0 $0x0  }
0x20: {  	[sflag:s30] =	ssyncpa.u1 $0x0;
	[dreg:$0x6] =	wrdreg s14;
	s15 =	sadd.s32 s4, s3  }
0x21: {  	s24 =	smov.u32 s12;
	s22 =	sadd.s32 $0x1, s15;
	[dreg:$0x7] =	wrdreg s15  }
0x22: {  	v0 =	vlaneseq.u32;
	s26 =	simm.s32 $0x0;
	p0 =	por $0x1, $0x1;
	[dreg:$0xb] =	wrdreg s22  }
.LBB2_22:
0x23: {  	s0 =	sshrl.u32 s3, $0x2  }
.LBB2_24:
0x24: {  	s3 =	simm.s32 $0xC  }
0x25: {  	_ =	swait.ge [sflag:s3], s0  }
0x26: {  	s31 =	ssub.s32 $0x0, s0;
	v1 =	vmov s4;
	vm0 =	veq.s32 v0, $0x0;
	[sflag:s3] =	ssyncset.done $0x0  }
0x27: {  	vm15 =	veq.s32 v0, $0x2;
	v1 =	vsel vm0, s2, v1;
	[sflag:s3] =	ssyncadd.s32 s31  }
0x28: {  	v1 =	vsel vm15, s26, v1;
	[sflag:s3] =	ssyncpa.u1 $0x1  }
0x29: {  	[tilespmem:$0xA108] =	vst v1  }
.LBB2_25:
0x2a: {  	s0 =	sadd.s32 $0x140, s24  }
0x2b: {  	s2 =	smov.u32 s12;
	p2 =	slt.s32 s0, s14  }
0x2c: {  	s2 =	smov.u32 @p2 s0;
	p2 =	sne.s32 s25, s22  }
.Ltmp2:
0x2d: {  	_ = 	snop;
	(pc) =	sbr.rel @!p2 .LBB2_26-.Ltmp2, $4  }
0x2e: {  	_ = 	snop  }
0x2f: {  	s26 =	smov.u32 s23;
	s31 =	sadd.s32 $0x1, s25;
	p0 =	por !p0, !p0  }
0x30: {  	s23 =	smov.u32 s24;
	s20 =	sadd.s32 $0x140, s20;
	s21 =	sadd.s32 $0x1, s21  }
0x31: {  	p1 =	por !p1, !p1;
	s25 =	smov.u32 s31;
	s24 =	smov.u32 s2  }
.LBB2_3:
0x32: {  	p2 =	sge.u32 s25, s15  }
0x33: {  	s0 =	smulhi.u32 @!p2 $0xAAAAAAAB, s25  }
0x34: {  	s2 =	smov.u32 s24;
	p3 =	sgt.s32 @!p2 s24, $0x61940  }
0x35: {  	s3 =	sshra.s32 @!p2 s24, $0x1F;
	p3 =	por !p3, p2;
	s0 =	sshrl.u32 @!p2 s0, $0x1  }
0x36: {  	s3 =	sand.u32 @!p2 s3, s24;
	s2 =	simm.s32 @p3 $0x61940;
	s0 =	smul.u32 @!p2 $0x3, s0  }
0x37: {  	s2 =	ssub.s32 @!p2 s2, s3  }
0x38: {  	s2 =	sadd.s32 @!p2 $0xFFF9E6C0, s2;
	s0 =	ssub.s32 @!p2 s25, s0  }
0x39: {  	s3 =	sshll.u32 @!p2 s2, $0x2;
	p3 =	sgt.s32 @!p2 s2, $0x13F;
	s0 =	smul.u32 @!p2 $0x500, s0  }
0x3a: {  	s4 =	sand.u32 @!p2 $0x7, s24;
	s2 =	ssub.s32 @!p2 $0x500, s3;
	p3 =	por !p3, p2  }
0x3b: {  	s3 =	sshrl.u32 @!p2 s24, $0x3;
	s2 =	sshrl.u32 @!p2 s2, $0x2;
	s0 =	sshrl.u32 @!p2 s0, $0x2  }
0x3c: {  	s3 =	sadd.s32 @!p2 s3, s17;
	s2 =	simm.s32 @!p3 $0x0;
	s0 =	sadd.s32 @!p2 $0xA948, s0  }
0x3d: {  	[tilespmem:s0], [sflag:$0xA] =	stream.linear.gather @!p2 [hbm4b:s3+s4], s2, $0x38;
	[tilespmem:$0x1EF88] =	vst v63  }
0x3e: {  	s0 =	sadd.s32 $0xFFFFFFFF, s25  }
0x3f: {  	p2 =	sge.u32 s0, s15  }
.Ltmp3:
0x40: {  	_ = 	snop;
	(pc) =	sbr.rel @p2 .LBB2_7-.Ltmp3, $1  }
0x41: {  	_ =	sdelay $0x3  }
0x42: {  	p2 =	sgt.s32 s23, $0x61940;
	s2 =	smov.u32 s23;
	s3 =	sshra.s32 s23, $0x1F  }
0x43: {  	s2 =	simm.s32 @!p2 $0x61940;
	s3 =	sand.u32 s3, s23  }
0x44: {  	s17 =	smulhi.u32 $0xAAAAAAAB, s21;
	s2 =	ssub.s32 s2, s3  }
0x45: {  	s0 =	sand.u32 $0x1, s0;
	s2 =	sadd.s32 $0xFFF9E6C0, s2  }
0x46: {  	s5 =	simm.s32 $0xA;
	s3 =	sshrl.u32 s17, $0x1;
	s4 =	sshll.u32 s2, $0x2  }
0x47: {  	s7 =	sshrl.u32 s23, $0x3;
	s3 =	smul.u32 $0xFFFFF100, s3;
	s4 =	ssub.s32 $0x500, s4  }
0x48: {  	s18 =	smul.u32 $0x500, s0;
	p2 =	sgt.s32 s2, $0x13F;
	s2 =	sshrl.u32 s4, $0x2  }
0x49: {  	s9 =	sand.u32 $0x7, s23;
	s3 =	sshra.s32 s3, $0x2;
	s2 =	simm.s32 @p2 $0x0  }
0x4a: {  	s0 =	sadd.s32 s3, s20;
	s4 =	sshrl.u32 s18, $0x2;
	_ =	swait.ge [sflag:s5], s2  }
0x4b: {  	s22 =	ssub.s32 $0x0, s2;
	[sflag:s5] =	ssyncset.done $0x0;
	s8 =	rddreg [dreg:$0x9]  }
0x4c: {  	s4 =	sadd.s32 $0xAD08, s4;
	[sflag:s5] =	ssyncadd.s32 s22;
	s3 =	sadd.s32 s7, s8  }
0x4d: {  	[tilespmem:s4], [sflag:$0xB] =	stream.linear.gather [hbm4b:s3+s9], s2, $0x38;
	[tilespmem:$0x1EF88] =	vst v63  }
0x4e: {  	v1 =	vld.msk [tilespmem:s0+$0x0], $0xffff;
	_ =	sdelay $0x4  }
0x4f: {  	v1 =	vshll.u32 v1, $0x4  }
0x50: {  	(v2sf) =	vpush v1, $0x0  }
0x51: {  	(v2sf) =	vpush v1, $0x1  }
0x52: {  	(v2sf) =	vpush v1, $0x2;
	_ =	sdelay $0x3  }
0x53: {  	(v2sf) =	vpush v1, $0x3;
	_ =	sdelay $0x1  }
0x54: {  	(v2sf) =	vpush v1, $0x4  }
0x55: {  	s2 =	simm.s32 $0x1;
	(v2sf) =	vpush v1, $0x5  }
0x56: {  	s2 =	simm.s32 @!p0 $0x0  }
0x57: {  	s2 =	smul.u32 $0x28000, s2;
	(v2sf) =	vpush v1, $0x6;
	_ =	sdelay $0x1  }
0x58: {  	s2 =	sshrl.u32 s2, $0x2  }
0x59: {  	s28 =	sadd.s32 $0xB708, s2  }
0x5a: {  	s12 =	sadd.s32 $0xFFFFF880, s28;
	s17 =	sadd.s32 $0xFFFFF900, s28;
	s10 =	spop (v2sf);
	(v2sf) =	vpush v1, $0x7  }
0x5b: {  	s18 =	sadd.s32 $0xFFFFF980, s28;
	s11 =	sand.u32 $0x1FFFFFF0, s10;
	s14 =	spop (v2sf)  }
0x5c: {  	(v2sf) =	vpush v1, $0x8;
	s2 =	sadd.s32 s6, s11;
	s15 =	sand.u32 $0x1FFFFFF0, s14;
	s16 =	spop (v2sf)  }
0x5d: {  	[tilespmem:s12], [sflag:$0x9] =	stream.linear.gather [hbm4b:s2+s19], $0x40, $0x38;
	[tilespmem:$0x1EF88] =	vst v63  }
0x5e: {  	s5 =	sadd.s32 $0xFFFFFA00, s28;
	s2 =	sadd.s32 s6, s15;
	s3 =	sand.u32 $0x1FFFFFF0, s16  }
0x5f: {  	(v2sf) =	vpush v1, $0x9;
	[tilespmem:s17], [sflag:$0x9] =	stream.linear.gather [hbm4b:s2+s19], $0x40, $0x38;
	[tilespmem:$0x1EF88] =	vst v63  }
0x60: {  	s7 =	sadd.s32 $0xFFFFFA80, s28;
	s22 =	spop (v2sf);
	s3 =	sadd.s32 s6, s3  }
0x61: {  	(v2sf) =	vpush v1, $0xA;
	[tilespmem:s18], [sflag:$0x9] =	stream.linear.gather [hbm4b:s3+s19], $0x40, $0x38;
	[tilespmem:$0x1EF88] =	vst v63  }
0x62: {  	s11 =	sadd.s32 $0xFFFFFB00, s28;
	s4 =	spop (v2sf);
	(v2sf) =	vpush v1, $0xB;
	s3 =	sand.u32 $0x1FFFFFF0, s22  }
0x63: {  	s8 =	spop (v2sf);
	s2 =	sadd.s32 s6, s3;
	s3 =	sand.u32 $0x1FFFFFF0, s4  }
0x64: {  	(v2sf) =	vpush v1, $0xC;
	[tilespmem:s5], [sflag:$0x9] =	stream.linear.gather [hbm4b:s2+s19], $0x40, $0x38;
	[tilespmem:$0x1EF88] =	vst v63  }
0x65: {  	s9 =	sand.u32 $0x1FFFFFF0, s8;
	s10 =	spop (v2sf);
	s3 =	sadd.s32 s6, s3  }
0x66: {  	(v2sf) =	vpush v1, $0xD;
	[tilespmem:s7], [sflag:$0x9] =	stream.linear.gather [hbm4b:s3+s19], $0x40, $0x38;
	[tilespmem:$0x1EF88] =	vst v63  }
0x67: {  	s12 =	sadd.s32 $0xFFFFFB80, s28;
	s2 =	sadd.s32 s6, s9;
	s3 =	sand.u32 $0x1FFFFFF0, s10  }
0x68: {  	[tilespmem:s11], [sflag:$0x9] =	stream.linear.gather [hbm4b:s2+s19], $0x40, $0x38;
	[tilespmem:$0x1EF88] =	vst v63  }
0x69: {  	s17 =	sadd.s32 $0xFFFFFC00, s28;
	s3 =	sadd.s32 s6, s3;
	s14 =	spop (v2sf)  }
0x6a: {  	[tilespmem:s12], [sflag:$0x9] =	stream.linear.gather [hbm4b:s3+s19], $0x40, $0x38;
	(v2sf) =	vpush v1, $0xE;
	[tilespmem:$0x1EF88] =	vst v63  }
0x6b: {  	s18 =	sadd.s32 $0xFFFFFC80, s28;
	s15 =	sand.u32 $0x1FFFFFF0, s14;
	s16 =	spop (v2sf)  }
0x6c: {  	s5 =	sadd.s32 $0xFFFFFD00, s28;
	(v2sf) =	vpush v1, $0xF;
	s2 =	sadd.s32 s6, s15;
	s3 =	sand.u32 $0x1FFFFFF0, s16  }
0x6d: {  	[tilespmem:s17], [sflag:$0x9] =	stream.linear.gather [hbm4b:s2+s19], $0x40, $0x38;
	[tilespmem:$0x1EF88] =	vst v63  }
0x6e: {  	s7 =	sadd.s32 $0xFFFFFD80, s28;
	s22 =	spop (v2sf);
	s3 =	sadd.s32 s6, s3  }
0x6f: {  	[tilespmem:s18], [sflag:$0x9] =	stream.linear.gather [hbm4b:s3+s19], $0x40, $0x38;
	[tilespmem:$0x1EF88] =	vst v63  }
0x70: {  	s11 =	sadd.s32 $0xFFFFFE00, s28;
	s4 =	spop (v2sf);
	s3 =	sand.u32 $0x1FFFFFF0, s22  }
0x71: {  	s8 =	spop (v2sf);
	s2 =	sadd.s32 s6, s3;
	s3 =	sand.u32 $0x1FFFFFF0, s4  }
0x72: {  	[tilespmem:s5], [sflag:$0x9] =	stream.linear.gather [hbm4b:s2+s19], $0x40, $0x38;
	[tilespmem:$0x1EF88] =	vst v63  }
0x73: {  	s9 =	sand.u32 $0x1FFFFFF0, s8;
	s10 =	spop (v2sf);
	s3 =	sadd.s32 s6, s3  }
0x74: {  	[tilespmem:s7], [sflag:$0x9] =	stream.linear.gather [hbm4b:s3+s19], $0x40, $0x38;
	[tilespmem:$0x1EF88] =	vst v63  }
0x75: {  	s14 =	spop (v2sf);
	s2 =	sadd.s32 s6, s9;
	s3 =	sand.u32 $0x1FFFFFF0, s10  }
0x76: {  	[tilespmem:s11], [sflag:$0x9] =	stream.linear.gather [hbm4b:s2+s19], $0x40, $0x38;
	[tilespmem:$0x1EF88] =	vst v63  }
0x77: {  	s12 =	sadd.s32 $0xFFFFFE80, s28;
	s15 =	sand.u32 $0x1FFFFFF0, s14;
	s3 =	sadd.s32 s6, s3  }
0x78: {  	[tilespmem:s12], [sflag:$0x9] =	stream.linear.gather [hbm4b:s3+s19], $0x40, $0x38;
	[tilespmem:$0x1EF88] =	vst v63  }
0x79: {  	s17 =	sadd.s32 $0xFFFFFF00, s28;
	s2 =	sadd.s32 s6, s15;
	s16 =	spop (v2sf)  }
0x7a: {  	[tilespmem:s17], [sflag:$0x9] =	stream.linear.gather [hbm4b:s2+s19], $0x40, $0x38;
	[tilespmem:$0x1EF88] =	vst v63  }
0x7b: {  	s29 =	simm.s32 $0x0;
	s3 =	sand.u32 $0x1FFFFFF0, s16;
	s18 =	spop (v2sf)  }
0x7c: {  	s22 =	sadd.s32 $0xFFFFFF80, s28;
	s3 =	sadd.s32 s6, s3;
	s2 =	sand.u32 $0x1FFFFFF0, s18  }
0x7d: {  	[tilespmem:s22], [sflag:$0x9] =	stream.linear.gather [hbm4b:s3+s19], $0x40, $0x38;
	[tilespmem:$0x1EF88] =	vst v63  }
0x7e: {  	s31 =	sadd.s32 $0x10, s0;
	s30 =	sadd.s32 $0x800, s28;
	s2 =	sadd.s32 s6, s2  }
.LBB2_5:
0x7f: {  	[tilespmem:s28], [sflag:$0x9] =	stream.linear.gather [hbm4b:s2+s19], $0x40, $0x38;
	[tilespmem:$0x1EF88] =	vst v63  }
0x80: {  	s29 =	sadd.s32 $0x10, s29;
	s28 =	smov.u32 s30  }
0x81: {  	p2 =	slt.u32 s29, $0x130;
	v1 =	vld.msk [tilespmem:s31+$0x0], $0xffff;
	_ =	sdelay $0x4  }
0x82: {  	v1 =	vshll.u32 v1, $0x4  }
0x83: {  	(v2sf) =	vpush v1, $0x0  }
0x84: {  	(v2sf) =	vpush v1, $0x1  }
0x85: {  	(v2sf) =	vpush v1, $0x2;
	_ =	sdelay $0x1  }
0x86: {  	(v2sf) =	vpush v1, $0x3;
	_ =	sdelay $0x1  }
0x87: {  	(v2sf) =	vpush v1, $0x4;
	_ =	sdelay $0x1  }
0x88: {  	(v2sf) =	vpush v1, $0x5;
	_ =	sdelay $0x1  }
0x89: {  	(v2sf) =	vpush v1, $0x6  }
0x8a: {  	s4 =	sadd.s32 $0xFFFFFE80, s30;
	s0 =	sadd.s32 $0xFFFFFF00, s30  }
0x8b: {  	s3 =	sadd.s32 $0xFFFFFD00, s30;
	s2 =	sadd.s32 $0xFFFFFD80, s30;
	s5 =	sadd.s32 $0xFFFFFE00, s30;
	(v2sf) =	vpush v1, $0x7  }
0x8c: {  	s10 =	sadd.s32 $0xFFFFFB80, s30;
	s9 =	sadd.s32 $0xFFFFFC00, s30;
	s16 =	sadd.s32 $0xFFFFFC80, s30  }
0x8d: {  	s11 =	sadd.s32 $0xFFFFFA00, s30;
	s12 =	sadd.s32 $0xFFFFFA80, s30;
	s15 =	sadd.s32 $0xFFFFFB00, s30;
	(v2sf) =	vpush v1, $0x8  }
0x8e: {  	s18 =	sadd.s32 $0xFFFFF900, s30;
	s7 =	sadd.s32 $0xFFFFF980, s30;
	s22 =	spop (v2sf)  }
0x8f: {  	s8 =	sadd.s32 $0xFFFFF880, s30;
	s22 =	sand.u32 $0x1FFFFFF0, s22;
	s14 =	spop (v2sf);
	(v2sf) =	vpush v1, $0x9  }
0x90: {  	s22 =	sadd.s32 s6, s22;
	s14 =	sand.u32 $0x1FFFFFF0, s14;
	s17 =	spop (v2sf)  }
0x91: {  	[tilespmem:s8], [sflag:$0x9] =	stream.linear.gather [hbm4b:s22+s19], $0x40, $0x38;
	(v2sf) =	vpush v1, $0xA;
	[tilespmem:$0x1EF88] =	vst v63  }
0x92: {  	s8 =	sadd.s32 s6, s14;
	s14 =	sand.u32 $0x1FFFFFF0, s17;
	s17 =	spop (v2sf)  }
0x93: {  	[tilespmem:s18], [sflag:$0x9] =	stream.linear.gather [hbm4b:s8+s19], $0x40, $0x38;
	(v2sf) =	vpush v1, $0xB;
	[tilespmem:$0x1EF88] =	vst v63  }
0x94: {  	s8 =	sadd.s32 s6, s14;
	s14 =	sand.u32 $0x1FFFFFF0, s17;
	s17 =	spop (v2sf)  }
0x95: {  	[tilespmem:s7], [sflag:$0x9] =	stream.linear.gather [hbm4b:s8+s19], $0x40, $0x38;
	(v2sf) =	vpush v1, $0xC;
	[tilespmem:$0x1EF88] =	vst v63  }
0x96: {  	s7 =	sadd.s32 s6, s14;
	s8 =	sand.u32 $0x1FFFFFF0, s17;
	s14 =	spop (v2sf)  }
0x97: {  	[tilespmem:s11], [sflag:$0x9] =	stream.linear.gather [hbm4b:s7+s19], $0x40, $0x38;
	(v2sf) =	vpush v1, $0xD;
	[tilespmem:$0x1EF88] =	vst v63  }
0x98: {  	s7 =	sadd.s32 s6, s8;
	s8 =	sand.u32 $0x1FFFFFF0, s14;
	s11 =	spop (v2sf)  }
0x99: {  	[tilespmem:s12], [sflag:$0x9] =	stream.linear.gather [hbm4b:s7+s19], $0x40, $0x38;
	(v2sf) =	vpush v1, $0xE;
	[tilespmem:$0x1EF88] =	vst v63  }
0x9a: {  	s7 =	sadd.s32 s6, s8;
	s8 =	sand.u32 $0x1FFFFFF0, s11;
	s11 =	spop (v2sf)  }
0x9b: {  	[tilespmem:s15], [sflag:$0x9] =	stream.linear.gather [hbm4b:s7+s19], $0x40, $0x38;
	(v2sf) =	vpush v1, $0xF;
	[tilespmem:$0x1EF88] =	vst v63  }
0x9c: {  	s7 =	sadd.s32 s6, s8;
	s8 =	sand.u32 $0x1FFFFFF0, s11;
	s11 =	spop (v2sf)  }
0x9d: {  	[tilespmem:s10], [sflag:$0x9] =	stream.linear.gather [hbm4b:s7+s19], $0x40, $0x38;
	[tilespmem:$0x1EF88] =	vst v63  }
0x9e: {  	s7 =	sadd.s32 s6, s8;
	s8 =	sand.u32 $0x1FFFFFF0, s11;
	s10 =	spop (v2sf)  }
0x9f: {  	[tilespmem:s9], [sflag:$0x9] =	stream.linear.gather [hbm4b:s7+s19], $0x40, $0x38;
	[tilespmem:$0x1EF88] =	vst v63  }
0xa0: {  	s7 =	sadd.s32 s6, s8;
	s8 =	sand.u32 $0x1FFFFFF0, s10;
	s9 =	spop (v2sf)  }
0xa1: {  	[tilespmem:s16], [sflag:$0x9] =	stream.linear.gather [hbm4b:s7+s19], $0x40, $0x38;
	[tilespmem:$0x1EF88] =	vst v63  }
0xa2: {  	s7 =	sadd.s32 s6, s8;
	s8 =	sand.u32 $0x1FFFFFF0, s9;
	s9 =	spop (v2sf)  }
0xa3: {  	[tilespmem:s3], [sflag:$0x9] =	stream.linear.gather [hbm4b:s7+s19], $0x40, $0x38;
	[tilespmem:$0x1EF88] =	vst v63  }
0xa4: {  	s3 =	sadd.s32 s6, s8;
	s7 =	sand.u32 $0x1FFFFFF0, s9;
	s8 =	spop (v2sf)  }
0xa5: {  	[tilespmem:s2], [sflag:$0x9] =	stream.linear.gather [hbm4b:s3+s19], $0x40, $0x38;
	[tilespmem:$0x1EF88] =	vst v63  }
0xa6: {  	s2 =	sadd.s32 s6, s7;
	s3 =	sand.u32 $0x1FFFFFF0, s8;
	s7 =	spop (v2sf)  }
0xa7: {  	[tilespmem:s5], [sflag:$0x9] =	stream.linear.gather [hbm4b:s2+s19], $0x40, $0x38;
	[tilespmem:$0x1EF88] =	vst v63  }
0xa8: {  	s2 =	sadd.s32 s6, s3;
	s3 =	sand.u32 $0x1FFFFFF0, s7;
	s5 =	spop (v2sf)  }
0xa9: {  	[tilespmem:s4], [sflag:$0x9] =	stream.linear.gather [hbm4b:s2+s19], $0x40, $0x38;
	[tilespmem:$0x1EF88] =	vst v63  }
0xaa: {  	s2 =	sadd.s32 s6, s3  }
.Ltmp4:
0xab: {  	s3 =	sand.u32 $0x1FFFFFF0, s5;
	s4 =	spop (v2sf);
	(pc) =	sbr.rel @p2 .LBB2_5-.Ltmp4, $4  }
0xac: {  	[tilespmem:s0], [sflag:$0x9] =	stream.linear.gather [hbm4b:s2+s19], $0x40, $0x38;
	[tilespmem:$0x1EF88] =	vst v63  }
0xad: {  	s0 =	sadd.s32 s6, s3;
	s2 =	sadd.s32 $0xFFFFFF80, s30;
	s3 =	sand.u32 $0x1FFFFFF0, s4  }
0xae: {  	[tilespmem:s2], [sflag:$0x9] =	stream.linear.gather [hbm4b:s0+s19], $0x40, $0x38;
	[tilespmem:$0x1EF88] =	vst v63  }
0xaf: {  	s31 =	sadd.s32 $0x10, s31;
	s30 =	sadd.s32 $0x800, s30;
	s2 =	sadd.s32 s6, s3  }
0xb0: {  	[tilespmem:s28], [sflag:$0x9] =	stream.linear.gather [hbm4b:s2+s19], $0x40, $0x38;
	[tilespmem:$0x1EF88] =	vst v63  }
0xb1: {  	s12 =	rddreg [dreg:$0x5]  }
0xb2: {  	s14 =	rddreg [dreg:$0x6]  }
0xb3: {  	s15 =	rddreg [dreg:$0x7]  }
0xb4: {  	s17 =	rddreg [dreg:$0x8]  }
0xb5: {  	s18 =	rddreg [dreg:$0xa]  }
0xb6: {  	s22 =	rddreg [dreg:$0xb]  }
.LBB2_7:
0xb7: {  	p2 =	slt.u32 s25, $0x2  }
.Ltmp5:
0xb8: {  	_ = 	snop;
	(pc) =	sbr.rel @p2 .LBB2_25-.Ltmp5, $1  }
0xb9: {  	_ =	sdelay $0x3  }
0xba: {  	p2 =	sgt.s32 s26, $0x61940;
	s0 =	smov.u32 s26;
	s2 =	sshra.s32 s26, $0x1F  }
0xbb: {  	s0 =	simm.s32 @!p2 $0x61940;
	s2 =	sand.u32 s2, s26  }
0xbc: {  	s0 =	ssub.s32 s0, s2  }
0xbd: {  	s0 =	sadd.s32 $0xFFF9E6C0, s0  }
0xbe: {  	s3 =	simm.s32 $0x9;
	s29 =	sshll.u32 s0, $0x2  }
0xbf: {  	_ =	swait.ge [sflag:s3], $0x5000;
	s2 =	ssub.s32 $0x500, s29  }
0xc0: {  	[sflag:s3] =	ssyncset.done $0x0;
	p2 =	sgt.s32 s0, $0x13F;
	s0 =	sshrl.u32 s2, $0x2  }
0xc1: {  	s30 =	simm.s32 $0xB;
	[sflag:s3] =	ssyncadd.s32 $0xFFFFB000;
	s0 =	simm.s32 @p2 $0x0  }
0xc2: {  	_ =	swait.ge [sflag:s30], s0  }
0xc3: {  	s0 =	ssub.s32 $0x0, s0;
	[sflag:s30] =	ssyncset.done $0x0  }
0xc4: {  	[sflag:s30] =	ssyncadd.s32 s0  }
0xc5: {  	v1 =	vld [tilespmem:$0xA108];
	_ =	sdelay $0x4  }
0xc6: {  	(v2sf) =	vpush v1, $0x0  }
0xc7: {  	(v2sf) =	vpush v1, $0x1  }
0xc8: {  	(v2sf) =	vpush v1, $0x2;
	_ =	sdelay $0x3  }
0xc9: {  	s0 =	sadd.s32 $0x140, s26  }
0xca: {  	s4 =	ssub.s32 $0xC3500, s26;
	p2 =	slt.s32 s14, s0  }
0xcb: {  	s0 =	smov.u32 @p2 s14;
	p2 =	sgt.s32 s4, $0x0  }
0xcc: {  	s0 =	ssub.s32 s0, s26;
	s4 =	simm.s32 @!p2 $0x0  }
0xcd: {  	p2 =	slt.s32 s4, s0  }
0xce: {  	s0 =	smov.u32 @p2 s4  }
0xcf: {  	s2 =	simm.s32 $0x1;
	p2 =	slt.s32 s0, $0x1  }
.Ltmp6:
0xd0: {  	s2 =	simm.s32 @!p1 $0x0;
	(pc) =	sbr.rel @p2 .LBB2_12-.Ltmp6, $4  }
0xd1: {  	s7 =	smul.u32 $0x500, s2  }
0xd2: {  	s3 =	spop (v2sf)  }
0xd3: {  	s31 =	sshrl.u32 s7, $0x2;
	s5 =	spop (v2sf)  }
0xd4: {  	s28 =	sadd.s32 $0xAD08, s31;
	s26 =	spop (v2sf)  }
0xd5: {  	s4 =	smin.u32 s0, $0x10  }
0xd6: {  	v1 =	vmov s4  }
0xd7: {  	p3 =	sgt.s32 s0, $0x10;
	vm1 =	vgt.u32 v1, v0  }
.Ltmp7:
0xd8: {  	_ = 	snop;
	(pc) =	sbr.rel @!p3 .LBB2_11-.Ltmp7, $2  }
0xd9: {  	_ =	sdelay $0x2  }
0xda: {  	s9 =	simm.s32 $0x10;
	s10 =	sadd.s32 $0xFFFFFFF0, s0;
	s4 =	smov.u32 s28;
	vm0 =	vmmov vm1  }
.LBB2_10:
0xdb: {  	s7 =	smin.u32 s10, $0x10;
	s9 =	sadd.s32 $0x10, s9;
	v1 =	vld.msk [tilespmem:s4+$0x0 ss:$0x1], vm1  }
0xdc: {  	v2 =	vmov s7;
	p3 =	slt.s32 s9, s0  }
0xdd: {  	vm1 =	vgt.u32 v2, v0  }
.Ltmp8:
0xde: {  	(pc) =	sbr.rel @p3 .LBB2_10-.Ltmp8, $3  }
0xdf: {  	_ =	sdelay $0x1  }
0xe0: {  	v1 =	vshll.u32 v1, $0x4  }
0xe1: {  	s10 =	sadd.s32 $0xFFFFFFF0, s10;
	[tilespmem:s4+$0x0] =	vst.msk vm0, v1;
	s4 =	sadd.s32 $0x10, s4;
	vm0 =	vmmov vm1  }
.LBB2_11:
0xe2: {  	_ =	sdelay $0x4  }
0xe3: {  	v1 =	vld.msk [tilespmem:s4+$0x0 ss:$0x1], vm1;
	_ =	sdelay $0x4  }
0xe4: {  	v1 =	vshll.u32 v1, $0x4  }
0xe5: {  	[tilespmem:s4+$0x0] =	vst.msk vm0, v1  }
.LBB2_12:
0xe6: {  	s4 =	sand.u32 $0x1, s25  }
0xe7: {  	s4 =	smul.u32 $0x140, s4  }
0xe8: {  	p3 =	sne.s32 s5, $0xFFFFFFFF  }
0xe9: {  	v1 =	vld.msk @!p3 [tilespmem:s4+$0xAD08], $0x1;
	_ =	sdelay $0x4  }
0xea: {  	(v2sf) =	vpush @!p3 v1, $0x0;
	_ =	sdelay $0xc  }
.Ltmp9:
0xeb: {  	_ = 	snop;
	(pc) =	sbr.rel @p2 .LBB2_23-.Ltmp9, $4  }
0xec: {  	_ = 	snop  }
0xed: {  	s29 =	spop @!p3 (v2sf)  }
0xee: {  	s31 =	simm.s32 $0xC;
	s26 =	simm.s32 @!p3 $0x0;
	s4 =	smov.u32 s29  }
0xef: {  	[sflag:s31] =	ssyncpa.u1 $0x0;
	s29 =	smov.u32 @p3 s3;
	s4 =	smov.u32 @p3 s5  }
0xf0: {  	v1 =	vld.msk [tilespmem:s28+$0x0], $0x1;
	_ =	sdelay $0x4  }
0xf1: {  	(v2sf) =	vpush v1, $0x0;
	_ =	sdelay $0xe  }
0xf2: {  	s2 =	smul.u32 $0x28000, s2;
	s5 =	spop (v2sf)  }
0xf3: {  	s31 =	ssub.s32 $0x0, s0;
	p2 =	seq.s32 s29, s5  }
0xf4: {  	s3 =	smov.u32 s29;
	s2 =	sshrl.u32 s2, $0x2;
	p3 =	sgt.s32 @!p2 s29, $0x0  }
0xf5: {  	s30 =	sadd.s32 $0xAFA8, s2;
	s2 =	sadd.s32 $0x1, s31;
	p3 =	por !p3, p2  }
0xf6: {  	s3 =	simm.s32 @p3 $0x0;
	p3 =	seq.s32 s2, $0x0  }
.Ltmp10:
0xf7: {  	_ = 	snop;
	(pc) =	sbr.rel @p3 .LBB2_15-.Ltmp10, $4  }
0xf8: {  	_ = 	snop  }
0xf9: {  	s0 =	simm.s32 $0x0;
	s9 =	simm.s32 @!p2 $0x1;
	s3 =	smin.u32 @!p2 s3, $0xC34F8  }
0xfa: {  	s10 =	simm.s32 @!p2 $0x50C8;
	s9 =	smov.u32 @p2 s0;
	s7 =	sand.u32 @!p2 $0xFFFF8, s3  }
0xfb: {  	s16 =	sand.u32 @!p2 $0x7, s3;
	s3 =	sadd.s32 $0x1, s28;
	s11 =	sadd.s32 @!p2 s1, s7  }
.LBB2_14:
0xfc: {  	s7 =	smov.u32 s9  }
0xfd: {  	[tilespmem:s10], [sflag:$0x2] =	stream.linear.gather @!p2 [hbm4b:s11+s16], $0x40, $0x38;
	[tilespmem:$0x1EF88] =	vst v63  }
0xfe: {  	s2 =	sadd.s32 $0x1, s2;
	s8 =	smov.u32 s5;
	v1 =	vld.msk [tilespmem:s3+$0x0], $0x1  }
0xff: {  	p3 =	seq.s32 s2, $0x0;
	_ =	sdelay $0x3  }
0x100: {  	(v2sf) =	vpush v1, $0x0;
	_ =	sdelay $0xe  }
0x101: {  	s5 =	spop (v2sf)  }
0x102: {  	p2 =	seq.s32 s8, s5  }
0x103: {  	p4 =	sgt.s32 @!p2 s8, $0x0;
	s10 =	sshll.u32 @!p2 s9, $0x8;
	s9 =	sadd.s32 @!p2 $0x1, s9  }
.Ltmp11:
0x104: {  	p4 =	por !p4, p2;
	s10 =	sshra.s32 @!p2 s10, $0x2;
	(pc) =	sbr.rel @!p3 .LBB2_14-.Ltmp11, $4  }
0x105: {  	s9 =	smov.u32 @p2 s7;
	s8 =	simm.s32 @p4 $0x0;
	s10 =	sadd.s32 @!p2 $0x50C8, s10  }
0x106: {  	s7 =	smin.u32 @!p2 s8, $0xC34F8  }
0x107: {  	s8 =	sand.u32 @!p2 $0xFFFF8, s7;
	s16 =	sand.u32 @!p2 $0x7, s7  }
0x108: {  	s3 =	sadd.s32 $0x1, s3;
	s11 =	sadd.s32 @!p2 s1, s8  }
.LBB2_15:
0x109: {  	[tilespmem:s10], [sflag:$0x2] =	stream.linear.gather @!p2 [hbm4b:s11+s16], $0x40, $0x38;
	[tilespmem:$0x1EF88] =	vst v63  }
.Ltmp12:
0x10a: {  	s2 =	sshll.u32 s9, $0x6;
	(pc) =	sbr.rel .LBB2_16-.Ltmp12, $4  }
0x10b: {  	s3 =	simm.s32 $0x2;
	s2 =	sand.u32 $0x3FFFFFC0, s2  }
0x10c: {  	_ =	swait.ge [sflag:s3], s2  }
0x10d: {  	s2 =	ssub.s32 $0x0, s2;
	[sflag:s3] =	ssyncset.done $0x0  }
0x10e: {  	[sflag:s3] =	ssyncadd.s32 s2;
	s3 =	simm.s32 $0x0  }
.LBB2_17:
0x10f: {  	v1 =	vld [tilespmem:s30+$0xFFFFFFE0];
	_ =	sdelay $0x4  }
0x110: {  	[tilespmem:s5+$0x88] =	vst.add.f32.msk $0xffff, v1  }
0x111: {  	v1 =	vld [tilespmem:s30+$0xFFFFFFF0];
	_ =	sdelay $0x4  }
0x112: {  	[tilespmem:s5+$0x98] =	vst.add.f32.msk $0xffff, v1  }
0x113: {  	v1 =	vld [tilespmem:s30+$0x0];
	_ =	sdelay $0x4  }
0x114: {  	[tilespmem:s5+$0xA8] =	vst.add.f32.msk $0xffff, v1  }
0x115: {  	v1 =	vld [tilespmem:s30+$0x10];
	_ =	sdelay $0x4  }
0x116: {  	[tilespmem:s5+$0xB8] =	vst.add.f32.msk $0xffff, v1  }
.LBB2_21:
0x117: {  	s31 =	sadd.s32 $0x1, s31  }
0x118: {  	p2 =	seq.s32 s31, $0x0  }
.Ltmp13:
0x119: {  	_ = 	snop;
	(pc) =	sbr.rel @p2 .LBB2_22-.Ltmp13, $2  }
0x11a: {  	_ =	sdelay $0x2  }
0x11b: {  	s30 =	sadd.s32 $0x80, s30;
	s28 =	sadd.s32 $0x1, s28;
	s29 =	smov.u32 s2  }
.LBB2_16:
0x11c: {  	v1 =	vld.msk [tilespmem:s28+$0x0], $0x1;
	_ =	sdelay $0x4  }
0x11d: {  	(v2sf) =	vpush v1, $0x0;
	_ =	sdelay $0xe  }
0x11e: {  	s2 =	spop (v2sf)  }
0x11f: {  	p2 =	sne.s32 s29, s2  }
.Ltmp14:
0x120: {  	_ = 	snop;
	(pc) =	sbr.rel @!p2 .LBB2_17-.Ltmp14, $3  }
0x121: {  	_ =	sdelay $0x1  }
0x122: {  	s5 =	sshll.u32 s26, $0x8  }
0x123: {  	s5 =	sshra.s32 s5, $0x2  }
0x124: {  	p2 =	seq.s32 s29, s4  }
.Ltmp15:
0x125: {  	_ = 	snop;
	(pc) =	sbr.rel @!p2 .LBB2_19-.Ltmp15, $1  }
0x126: {  	_ =	sdelay $0x3  }
.Ltmp16:
0x127: {  	s5 =	sadd.s32 $0x88, s5;
	(pc) =	sbr.rel .LBB2_20-.Ltmp16, $4  }
0x128: {  	[spmem:s18] =	stream.linear.scatter [tilespmem:s5], [sflag:$0x1], $0x40, $0x38;
	[tilespmem:$0x1EF88] =	vst v63  }
0x129: {  	_ =	swait.ge [sflag:s13], $0x40  }
0x12a: {  	[sflag:s13] =	ssyncset.done $0x0  }
0x12b: {  	[sflag:s13] =	ssyncadd.s32 $0xFFFFFFC0  }
.LBB2_19:
0x12c: {  	s7 =	sshll.u32 s0, $0x8  }
0x12d: {  	s7 =	sshra.s32 s7, $0x2  }
0x12e: {  	v1 =	vld [tilespmem:s7+$0x50C8];
	_ =	sdelay $0x4  }
0x12f: {  	[tilespmem:s5+$0x88] =	vst.add.f32.msk $0xffff, v1  }
0x130: {  	v1 =	vld [tilespmem:s7+$0x50D8];
	_ =	sdelay $0x4  }
0x131: {  	[tilespmem:s5+$0x98] =	vst.add.f32.msk $0xffff, v1  }
0x132: {  	v1 =	vld [tilespmem:s7+$0x50E8];
	_ =	sdelay $0x4  }
0x133: {  	[tilespmem:s5+$0xA8] =	vst.add.f32.msk $0xffff, v1  }
0x134: {  	v1 =	vld [tilespmem:s7+$0x50F8];
	_ =	sdelay $0x2  }
0x135: {  	p2 =	sgt.u32 s29, $0xC34F8  }
0x136: {  	s7 =	sand.u32 @!p2 $0xFFFF8, s29  }
0x137: {  	s8 =	sadd.s32 $0x88, s5;
	[tilespmem:s5+$0xB8] =	vst.add.f32.msk $0xffff, v1;
	s5 =	sadd.s32 @!p2 s1, s7;
	s7 =	sand.u32 @!p2 $0x7, s29  }
0x138: {  	[hbm4b:s5+s7] =	stream.linear.scatter @!p2 [tilespmem:s8], [sflag:$0xC], $0x40, $0x38;
	[tilespmem:$0x1EF88] =	vst v63  }
0x139: {  	s5 =	simm.s32 $0x0  }
0x13a: {  	s5 =	simm.s32 @!p2 $0x100  }
0x13b: {  	s3 =	sadd.s32 s5, s3  }
.LBB2_20:
0x13c: {  	s5 =	sadd.s32 $0x1, s26  }
0x13d: {  	s7 =	smulhi.u32 $0xCCCCCCCD, s5;
	_ =	sdelay $0x1  }
0x13e: {  	v1 =	vld [tilespmem:s30+$0xFFFFFFE0];
	s7 =	sshrl.u32 s7, $0x8  }
0x13f: {  	s7 =	smul.u32 $0x140, s7;
	_ =	sdelay $0x1  }
0x140: {  	s26 =	ssub.s32 s5, s7  }
0x141: {  	s5 =	sshll.u32 s26, $0x6  }
0x142: {  	[tilespmem:s5+$0x88] =	vst v1  }
0x143: {  	v1 =	vld [tilespmem:s30+$0xFFFFFFF0];
	_ =	sdelay $0x4  }
0x144: {  	[tilespmem:s5+$0x98] =	vst v1  }
0x145: {  	v1 =	vld [tilespmem:s30+$0x0];
	_ =	sdelay $0x4  }
0x146: {  	[tilespmem:s5+$0xA8] =	vst v1  }
0x147: {  	v1 =	vld [tilespmem:s30+$0x10]  }
.Ltmp17:
0x148: {  	_ = 	snop;
	(pc) =	sbr.rel .LBB2_21-.Ltmp17, $2  }
0x149: {  	_ =	sdelay $0x2  }
0x14a: {  	s0 =	sadd.s32 $0x1, s0;
	[tilespmem:s5+$0xB8] =	vst v1  }
.LBB2_23:
.Ltmp18:
0x14b: {  	(pc) =	sbr.rel .LBB2_24-.Ltmp18, $4  }
0x14c: {  	_ = 	snop  }
0x14d: {  	s0 =	simm.s32 $0x2  }
0x14e: {  	_ =	swait.ge [sflag:s0], $0x0  }
0x14f: {  	s2 =	smov.u32 s29;
	[sflag:s0] =	ssyncset.done $0x0;
	s0 =	simm.s32 $0x0  }
.LBB2_26:
0x150: {  	_ =	sfence.sel $0x180000  }
0x151: {  	s0 =	simm.s32 $0x9;
	[bflag:$0x0] =	sbarrier.arrive $0xFFFF  }
0x152: {  	s24 =	simm.s32 $0xA;
	[sflag:s0] =	ssyncpa.u1 $0x1  }
0x153: {  	s25 =	simm.s32 $0xB;
	[sflag:s24] =	ssyncpa.u1 $0x1  }
0x154: {  	s26 =	simm.s32 $0x2;
	[sflag:s25] =	ssyncpa.u1 $0x1  }
0x155: {  	[sflag:s26] =	ssyncpa.u1 $0x1  }
0x156: {  	v0 =	vld [tilespmem:$0xA108];
	_ =	sdelay $0x4  }
0x157: {  	(v2sf) =	vpush v0, $0x0  }
0x158: {  	(v2sf) =	vpush v0, $0x1;
	_ =	sdelay $0x1  }
0x159: {  	(v2sf) =	vpush v0, $0x2;
	_ =	sdelay $0xb  }
0x15a: {  	s0 =	spop (v2sf)  }
0x15b: {  	s2 =	spop (v2sf)  }
0x15c: {  	s3 =	smov.u32 s0;
	p0 =	sne.s32 s0, s2  }
0x15d: {  	s4 =	spop (v2sf);
	s3 =	simm.s32 @!p0 $0xFFFFFFFF  }
0x15e: {  	v2 =	vimm.s32 $0x1;
	v3 =	vlaneseq.u32;
	p0 =	seq.s32 s4, $0xFFFFFFFF;
	v1 =	vmov s3  }
0x15f: {  	s14 =	stileid.u32;
	v0 =	vperm.xlane v0, v2;
	p1 =	sne.s32 @!p0 s0, s2;
	v1 =	vperm.xlane v1, v3  }
0x160: {  	vm0 =	vcmask $0x3F04;
	s6 =	simm.s32 $0xA108;
	s0 =	simm.s32 @!p0 $0x1;
	p1 =	por !p1, p0  }
0x161: {  	s3 =	sshll.u32 s14, $0x1;
	s2 =	sshll.u32 @!p0 s4, $0x8;
	s0 =	simm.s32 @p1 $0x0;
	v0 =	vsel vm0, v1, v0  }
0x162: {  	s5 =	sor.u32 $0x800, s3;
	s2 =	sshra.s32 @!p0 s2, $0x2;
	s0 =	sor.u32 @!p0 s0, s3;
	[tilespmem:$0xA108] =	vst v0  }
0x163: {  	[spmem:s5] =	stream.linear.scatter [tilespmem:s6], [sflag:$0x1], $0x2, $0x38;
	[tilespmem:$0x1EF88] =	vst v63  }
0x164: {  	s2 =	sadd.s32 @!p0 $0x88, s2;
	s0 =	sshll.u32 @!p0 s0, $0x6  }
0x165: {  	[spmem:s0] =	stream.linear.scatter @!p0 [tilespmem:s2], [sflag:$0x1], $0x40, $0x38;
	[tilespmem:$0x1EF88] =	vst v63  }
0x166: {  	s0 =	simm.s32 @!p0 $0x42  }
0x167: {  	s28 =	simm.s32 $0x1;
	s0 =	simm.s32 @p0 $0x2  }
0x168: {  	_ =	swait.ge [sflag:s28], s0  }
0x169: {  	s0 =	ssub.s32 $0x0, s0;
	[sflag:s28] =	ssyncset.done $0x0  }
0x16a: {  	p0 =	sne.s32 s14, $0x0;
	[sflag:s28] =	ssyncadd.s32 s0  }
.Ltmp19:
0x16b: {  	_ =	sfence.stream.spmem;
	(pc) =	sbr.rel @p0 .LBB2_43-.Ltmp19, $4  }
0x16c: {  	s29 =	simm.s32 $0x3;
	[bflag:$0x0] =	sbarrier.arrive $0xFFFF  }
0x16d: {  	s30 =	simm.s32 $0x4;
	[sflag:s29] =	ssyncpa.u1 $0x1  }
0x16e: {  	s31 =	simm.s32 $0x3C;
	[sflag:s30] =	ssyncpa.u1 $0x1  }
0x16f: {  	s13 =	rddreg [dreg:$0x4];
	[sflag:s31] =	ssyncpa.u1 $0x1  }
0x170: {  	_ =	sfence.stream.spmem;
	s0 =	simm.s32 $0x5  }
0x171: {  	s2 =	simm.s32 $0x800;
	s3 =	simm.s32 $0xA118;
	[sflag:s0] =	ssyncpa.u1 $0x0  }
0x172: {  	[tilespmem:s3], [sflag:$0x5] =	stream.linear.gather [spmem:s2], $0x20, $0x38;
	[tilespmem:$0x1EF88] =	vst v63  }
0x173: {  	s26 =	simm.s32 $0x0;
	s28 =	simm.s32 $0xA138  }
0x174: {  	[tilespmem:s28], [sflag:$0x5] =	stream.linear.gather [spmem:s26], $0x800, $0x38;
	[tilespmem:$0x1EF88] =	vst v63  }
0x175: {  	_ =	swait.ge [sflag:s0], $0x820  }
0x176: {  	[sflag:s0] =	ssyncset.done $0x0  }
0x177: {  	s29 =	simm.s32 $0x0;
	[sflag:s0] =	ssyncadd.s32 $0xFFFFF7E0  }
0x178: {  	v0 =	vld.msk [tilespmem:s29+$0xA118], $0x1;
	_ =	sdelay $0x1  }
0x179: {  	s30 =	simm.s32 $0x1  }
0x17a: {  	v1 =	vld.msk [tilespmem:s30+$0xA118], $0x1;
	_ =	sdelay $0x1  }
0x17b: {  	(v2sf) =	vpush v0, $0x0;
	_ =	sdelay $0x2  }
0x17c: {  	(v2sf) =	vpush v1, $0x0;
	_ =	sdelay $0x2  }
0x17d: {  	s31 =	simm.s32 $0x2  }
0x17e: {  	v0 =	vld.msk [tilespmem:s31+$0xA118], $0x1;
	_ =	sdelay $0x2  }
0x17f: {  	s2 =	simm.s32 $0xFFFFFFFF;
	s3 =	simm.s32 $0xFFFFFFFF;
	s0 =	simm.s32 $0xC  }
.LBB2_28:
0x180: {  	s4 =	smov.u32 s3;
	s5 =	smov.u32 s2  }
0x181: {  	s2 =	sshra.s32 s0, $0x2;
	p1 =	sne.s32 s0, $0x7C;
	s0 =	sadd.s32 $0x4, s0;
	(v2sf) =	vpush v0, $0x0  }
0x182: {  	v0 =	vld.msk [tilespmem:s2+$0xA118], $0x1  }
.Ltmp20:
0x183: {  	(pc) =	sbr.rel @p1 .LBB2_28-.Ltmp20, $4  }
0x184: {  	s3 =	spop (v2sf)  }
0x185: {  	p2 =	sne.s32 s5, $0xFFFFFFFF;
	s2 =	smov.u32 s3  }
0x186: {  	p3 =	seq.s32 s3, $0xFFFFFFFF;
	s2 =	smov.u32 @p2 s5  }
0x187: {  	s3 =	smov.u32 @p3 s4;
	s2 =	smov.u32 @p3 s5  }
0x188: {  	(v2sf) =	vpush v0, $0x0;
	_ =	sdelay $0x8  }
0x189: {  	s0 =	spop (v2sf)  }
0x18a: {  	p1 =	sne.s32 s2, $0xFFFFFFFF;
	s4 =	smov.u32 s0  }
0x18b: {  	s6 =	simm.s32 $0x0;
	p2 =	seq.s32 s0, $0xFFFFFFFF;
	s4 =	smov.u32 @p1 s2  }
0x18c: {  	s9 =	simm.s32 $0xA0C8;
	s4 =	smov.u32 @p2 s2;
	s2 =	spop (v2sf)  }
0x18d: {  	s0 =	smov.u32 @p2 s3;
	p1 =	sne.s32 s4, $0xFFFFFFFF;
	s5 =	smov.u32 s2  }
.Ltmp21:
0x18e: {  	p2 =	seq.s32 s2, $0xFFFFFFFF;
	s5 =	smov.u32 @p1 s4;
	(pc) =	sbr.rel .LBB2_30-.Ltmp21, $4  }
0x18f: {  	s10 =	simm.s32 $0x0;
	s5 =	smov.u32 @p2 s4;
	s7 =	spop (v2sf)  }
0x190: {  	s2 =	smov.u32 @p2 s0;
	p1 =	sne.s32 s5, $0xFFFFFFFF;
	s8 =	smov.u32 s7  }
0x191: {  	s0 =	simm.s32 $0x6;
	p2 =	seq.s32 s7, $0xFFFFFFFF;
	s8 =	smov.u32 @p1 s5  }
0x192: {  	[sflag:s0] =	ssyncpa.u1 $0x0;
	s7 =	smov.u32 @p2 s2;
	s8 =	smov.u32 @p2 s5  }
.LBB2_36:
0x193: {  	p1 =	sgt.u32 s2, $0xC34F8  }
0x194: {  	p2 =	seq.s32 @!p1 s2, s8  }
0x195: {  	p1 =	por p1, p2  }
0x196: {  	p2 =	sne.s32 @!p1 s2, s7  }
0x197: {  	p1 =	por p1, !p2  }
0x198: {  	s2 =	sshll.u32 @p1 s10, $0x8  }
0x199: {  	s3 =	sand.u32 @!p1 $0xFFFF8, s2  }
0x19a: {  	s2 =	sand.u32 @!p1 $0x7, s2;
	s3 =	sadd.s32 @!p1 s1, s3  }
0x19b: {  	[tilespmem:s9], [sflag:$0x6] =	stream.linear.gather @!p1 [hbm4b:s3+s2], $0x40, $0x38;
	[tilespmem:$0x1EF88] =	vst v63  }
0x19c: {  	_ =	swait.ge @!p1 [sflag:s0], $0x40  }
0x19d: {  	[sflag:s0] =	ssyncset.done @!p1 $0x0  }
0x19e: {  	[sflag:s0] =	ssyncadd.s32 @!p1 $0xFFFFFFC0  }
0x19f: {  	v1 =	vld @!p1 [tilespmem:$0xA0C8];
	_ =	sdelay $0x2  }
0x1a0: {  	s2 =	sshll.u32 @!p1 s10, $0x8  }
0x1a1: {  	s3 =	sshrl.u32 @!p1 s2, $0x2  }
0x1a2: {  	[tilespmem:s3+$0xA138] =	vst.add.f32.msk @!p1 $0xffff, v1  }
0x1a3: {  	v1 =	vld @!p1 [tilespmem:$0xA0D8];
	_ =	sdelay $0x4  }
0x1a4: {  	[tilespmem:s3+$0xA148] =	vst.add.f32.msk @!p1 $0xffff, v1  }
0x1a5: {  	v1 =	vld @!p1 [tilespmem:$0xA0E8];
	_ =	sdelay $0x4  }
0x1a6: {  	[tilespmem:s3+$0xA158] =	vst.add.f32.msk @!p1 $0xffff, v1  }
0x1a7: {  	v1 =	vld @!p1 [tilespmem:$0xA0F8];
	_ =	sdelay $0x4  }
0x1a8: {  	[tilespmem:s3+$0xA168] =	vst.add.f32.msk @!p1 $0xffff, v1  }
0x1a9: {  	s2 =	sshrl.u32 s2, $0x2;
	[tilespmem:s6+$0xA118] =	vst.msk $0x1, v0  }
0x1aa: {  	v0 =	vld [tilespmem:s2+$0xA138];
	_ =	sdelay $0x2  }
0x1ab: {  	s31 =	sshll.u32 s6, $0x8  }
0x1ac: {  	s3 =	sshra.s32 s31, $0x2  }
0x1ad: {  	[tilespmem:s3+$0xA138] =	vst v0  }
0x1ae: {  	v0 =	vld [tilespmem:s2+$0xA148];
	_ =	sdelay $0x4  }
0x1af: {  	[tilespmem:s3+$0xA148] =	vst v0  }
0x1b0: {  	v0 =	vld [tilespmem:s2+$0xA158];
	_ =	sdelay $0x4  }
0x1b1: {  	[tilespmem:s3+$0xA158] =	vst v0  }
0x1b2: {  	v0 =	vld [tilespmem:s2+$0xA168];
	_ =	sdelay $0x4  }
0x1b3: {  	s6 =	sadd.s32 $0x1, s6;
	[tilespmem:s3+$0xA168] =	vst v0  }
.LBB2_37:
0x1b4: {  	s10 =	sadd.s32 $0x1, s10  }
0x1b5: {  	p1 =	sne.s32 s10, $0x20  }
.Ltmp22:
0x1b6: {  	_ = 	snop;
	(pc) =	sbr.rel @!p1 .LBB2_38-.Ltmp22, $1  }
0x1b7: {  	_ =	sdelay $0x3  }
.LBB2_30:
0x1b8: {  	v0 =	vld.msk [tilespmem:s10+$0xA118], $0x1;
	_ =	sdelay $0x4  }
0x1b9: {  	(v2sf) =	vpush v0, $0x0;
	_ =	sdelay $0xe  }
0x1ba: {  	s2 =	spop (v2sf)  }
0x1bb: {  	p1 =	seq.s32 s2, $0xFFFFFFFF  }
.Ltmp23:
0x1bc: {  	_ = 	snop;
	(pc) =	sbr.rel @p1 .LBB2_37-.Ltmp23, $1  }
0x1bd: {  	_ =	sdelay $0x3  }
0x1be: {  	p1 =	slt.s32 s6, $0x1  }
.Ltmp24:
0x1bf: {  	_ = 	snop;
	(pc) =	sbr.rel @p1 .LBB2_36-.Ltmp24, $1  }
0x1c0: {  	_ =	sdelay $0x3  }
0x1c1: {  	s3 =	simm.s32 $0xA118;
	p1 =	por $0x0, $0x0  }
0x1c2: {  	v1 =	vld.msk @!p1 [tilespmem:s3+$0x0], $0x1;
	_ =	sdelay $0x4  }
0x1c3: {  	(v2sf) =	vpush @!p1 v1, $0x0;
	_ =	sdelay $0xd  }
0x1c4: {  	p3 =	sne.s32 s6, $0x1  }
.Ltmp25:
0x1c5: {  	s4 =	spop @!p1 (v2sf);
	(pc) =	sbr.rel @!p3 .LBB2_34-.Ltmp25, $4  }
0x1c6: {  	p2 =	seq.s32 @!p1 s2, s4  }
0x1c7: {  	s4 =	simm.s32 $0x0;
	p2 =	por !p2, p1  }
0x1c8: {  	s11 =	simm.s32 $0xFFFFFFFF;
	s4 =	simm.s32 @p2 $0xFFFFFFFF  }
0x1c9: {  	s5 =	simm.s32 $0x1;
	s4 =	smov.u32 @p1 s11  }
.LBB2_33:
0x1ca: {  	s11 =	smov.u32 s4;
	p1 =	sne.s32 s4, $0xFFFFFFFF  }
0x1cb: {  	s3 =	sadd.s32 $0x1, s3;
	s4 =	smov.u32 s5;
	s5 =	sadd.s32 $0x1, s5  }
0x1cc: {  	p2 =	sne.s32 s6, s5;
	v1 =	vld.msk @!p1 [tilespmem:s3+$0x0], $0x1;
	_ =	sdelay $0x4  }
0x1cd: {  	(v2sf) =	vpush @!p1 v1, $0x0;
	_ =	sdelay $0xe  }
.Ltmp26:
0x1ce: {  	s12 =	spop @!p1 (v2sf);
	(pc) =	sbr.rel @p2 .LBB2_33-.Ltmp26, $4  }
0x1cf: {  	p3 =	seq.s32 @!p1 s2, s12  }
0x1d0: {  	p3 =	por !p3, p1  }
0x1d1: {  	s4 =	simm.s32 @p3 $0xFFFFFFFF  }
0x1d2: {  	s4 =	smov.u32 @p1 s11  }
.LBB2_34:
0x1d3: {  	p1 =	seq.s32 s4, $0xFFFFFFFF  }
.Ltmp27:
0x1d4: {  	_ = 	snop;
	(pc) =	sbr.rel @p1 .LBB2_36-.Ltmp27, $1  }
0x1d5: {  	_ =	sdelay $0x3  }
0x1d6: {  	s2 =	sshll.u32 s10, $0x6  }
0x1d7: {  	s2 =	sand.u32 $0x3FFFFFC0, s2  }
0x1d8: {  	v0 =	vld [tilespmem:s2+$0xA138];
	_ =	sdelay $0x2  }
0x1d9: {  	s3 =	sshll.u32 s4, $0x8  }
0x1da: {  	s3 =	sshra.s32 s3, $0x2  }
0x1db: {  	[tilespmem:s3+$0xA138] =	vst.add.f32.msk $0xffff, v0  }
0x1dc: {  	v0 =	vld [tilespmem:s2+$0xA148];
	_ =	sdelay $0x4  }
0x1dd: {  	[tilespmem:s3+$0xA148] =	vst.add.f32.msk $0xffff, v0  }
0x1de: {  	v0 =	vld [tilespmem:s2+$0xA158];
	_ =	sdelay $0x4  }
0x1df: {  	[tilespmem:s3+$0xA158] =	vst.add.f32.msk $0xffff, v0  }
0x1e0: {  	v0 =	vld [tilespmem:s2+$0xA168]  }
.Ltmp28:
0x1e1: {  	_ = 	snop;
	(pc) =	sbr.rel .LBB2_37-.Ltmp28, $2  }
0x1e2: {  	_ =	sdelay $0x2  }
0x1e3: {  	[tilespmem:s3+$0xA168] =	vst.add.f32.msk $0xffff, v0  }
.LBB2_38:
0x1e4: {  	s0 =	simm.s32 $0x6;
	p1 =	seq.s32 s6, $0x0  }
0x1e5: {  	[sflag:s0] =	ssyncpa.u1 $0x1;
	v0 =	vimm.s32 @p1 $0xFFFFFFFF  }
0x1e6: {  	s0 =	sadd.s32 $0xFFFFFFFF, s6;
	[tilespmem:$0xA938] =	vst @p1 v0  }
0x1e7: {  	v0 =	vld.msk @!p1 [tilespmem:s0+$0xA118], $0x1;
	_ =	sdelay $0x1  }
0x1e8: {  	v1 =	vld.msk @!p1 [tilespmem:$0xA118], $0x1;
	_ =	sdelay $0x2  }
0x1e9: {  	p2 =	seq.s32 @!p1 s0, $0x0;
	v0 =	vbroadcast @!p1 v0, $0x0  }
0x1ea: {  	vm0 =	vmmov @!p1 $0x1;
	p2 =	por !p2, p1  }
0x1eb: {  	v1 =	vnsel @!p1 vm0, $0xFFFFFFFF, v1;
	vm0 =	vcmask @!p1 $0x308;
	v0 =	vpsel !p2, $0xFFFFFFFF, v0  }
0x1ec: {  	p2 =	sne.s32 @!p1 s8, s7;
	v0 =	vsel @!p1 vm0, v1, v0  }
0x1ed: {  	s2 =	simm.s32 @!p1 $0xA138;
	s3 =	simm.s32 @!p1 $0x0;
	p3 =	por !p2, p1;
	[tilespmem:$0xA938] =	vst @!p1 v0  }
0x1ee: {  	[spmem:s3] =	stream.linear.scatter @!p1 [tilespmem:s2], [sflag:$0x1], $0x40, $0x38;
	[tilespmem:$0x1EF88] =	vst v63  }
0x1ef: {  	s2 =	sshll.u32 @!p3 s0, $0x8  }
0x1f0: {  	s2 =	sshra.s32 @!p3 s2, $0x2  }
0x1f1: {  	s3 =	simm.s32 @!p3 $0x40;
	s2 =	sadd.s32 @!p3 $0xA138, s2  }
0x1f2: {  	[spmem:s3] =	stream.linear.scatter @!p3 [tilespmem:s2], [sflag:$0x1], $0x40, $0x38;
	[tilespmem:$0x1EF88] =	vst v63  }
0x1f3: {  	s2 =	simm.s32 @!p3 $0x1  }
0x1f4: {  	_ =	swait.ge @!p3 [sflag:s2], $0x80  }
0x1f5: {  	p1 =	por p2, p1;
	[sflag:s2] =	ssyncset.done @!p3 $0x0  }
0x1f6: {  	[sflag:s2] =	ssyncadd.s32 @!p3 $0xFFFFFF80;
	s2 =	simm.s32 @!p1 $0x1  }
0x1f7: {  	_ =	swait.ge @!p1 [sflag:s2], $0x40  }
0x1f8: {  	s29 =	simm.s32 $0xA938;
	[sflag:s2] =	ssyncset.done @!p1 $0x0  }
0x1f9: {  	s30 =	simm.s32 $0x800;
	s31 =	simm.s32 $0x1;
	[sflag:s2] =	ssyncadd.s32 @!p1 $0xFFFFFFC0  }
0x1fa: {  	[spmem:s30] =	stream.linear.scatter [tilespmem:s29], [sflag:$0x1], $0x10, $0x38;
	[tilespmem:$0x1EF88] =	vst v63  }
0x1fb: {  	_ =	swait.ge [sflag:s31], $0x10  }
0x1fc: {  	[sflag:s31] =	ssyncset.done $0x0  }
0x1fd: {  	p1 =	seq.s32 s13, $0x0;
	s9 =	rddreg [dreg:$0x1];
	[sflag:s31] =	ssyncadd.s32 $0xFFFFFFF0  }
0x1fe: {  	s3 =	sshll.u32 @p1 s9, $0xE;
	s8 =	rddreg [dreg:$0x2]  }
0x1ff: {  	s2 =	sadd.s32 @p1 $0x15C3C, s3;
	s3 =	sshll.u32 @p1 s8, $0x11  }
0x200: {  	_ =	sfence.stream.spmem;
	s2 =	sor.u32 @p1 s3, s2  }
0x201: {  	[sflag:s2] =	ssyncadd.remote.s32 @p1 $0x1;
	s2 =	simm.s32 @p1 $0x4  }
0x202: {  	s4 =	simm.s32 @!p1 $0x3C;
	s3 =	sand.u32 $0xFFFFFFFE, s9;
	_ =	swait.ge @p1 [sflag:s2], $0x12  }
0x203: {  	s5 =	simm.s32 @!p1 $0x0;
	s3 =	sadd.s32 @!p1 $0x4, s3;
	[sflag:s2] =	ssyncset.done @p1 $0x0  }
0x204: {  	s7 =	simm.s32 @!p1 $0x80;
	[sflag:s2] =	ssyncadd.s32 @p1 $0xFFFFFFEE;
	s2 =	sshll.u32 @!p1 s3, $0x1A  }
0x205: {  	s3 =	sshll.u32 @!p1 s3, $0xD;
	s2 =	sor.u32 @!p1 s2, s8;
	_ =	swait.eq @!p1 [sflag:s4], $0x1  }
0x206: {  	s3 =	sor.u32 @!p1 $0x1C04, s3;
	s4 =	simm.s32 @!p1 $0x1C03;
	s2 =	sor.u32 @!p1 $0x80004000, s2  }
0x207: {  	[spmem:s7], [sflag:s3] =	dma.general @!p1 [spmem:s5], [sflag:s4], length:$0x10, [dreg:$0x0], stride_count:$0x0, ici_dest:s2, dma_misc:DstOpCode:WRITE  }
0x208: {  	p2 =	slt.s32 s0, $0x2;
	s5 =	simm.s32 @!p1 $0x100;
	s7 =	simm.s32 @!p1 $0x102  }
0x209: {  	[spmem:s7], [sflag:s3] =	dma.general @!p1 [spmem:s5], [sflag:s4], length:$0x2, [dreg:$0x0], stride_count:$0x0, ici_dest:s2, dma_misc:DstOpCode:WRITE  }
.Ltmp29:
0x20a: {  	s2 =	simm.s32 @!p1 $0x3;
	(pc) =	sbr.rel @p2 .LBB2_42-.Ltmp29, $4  }
0x20b: {  	s3 =	sshll.u32 @!p1 s9, $0xE;
	_ =	swait.ge @!p1 [sflag:s2], $0x12  }
0x20c: {  	s4 =	sshll.u32 @!p1 s8, $0x11;
	s3 =	sadd.s32 @!p1 $0x11C3C, s3;
	[sflag:s2] =	ssyncset.done @!p1 $0x0  }
0x20d: {  	[sflag:s2] =	ssyncadd.s32 @!p1 $0xFFFFFFEE;
	s2 =	sor.u32 @!p1 s4, s3  }
0x20e: {  	s0 =	simm.s32 $0x0;
	[sflag:s2] =	ssyncadd.remote.s32 @!p1 $0xFFFFFFFF  }
0x20f: {  	s0 =	simm.s32 $0xA119  }
0x210: {  	v0 =	vld.msk [tilespmem:s0+$0x0], $0x1;
	_ =	sdelay $0x4  }
0x211: {  	(v2sf) =	vpush v0, $0x0;
	_ =	sdelay $0xc  }
0x212: {  	s2 =	sadd.s32 $0xFFFFFFFE, s6  }
0x213: {  	s2 =	sadd.s32 $0xFFFFFFFF, s2  }
0x214: {  	p2 =	sne.s32 s2, $0x0;
	s3 =	spop (v2sf)  }
.Ltmp30:
0x215: {  	p1 =	sgt.u32 s3, $0xC34F8;
	(pc) =	sbr.rel @!p2 .LBB2_41-.Ltmp30, $4  }
0x216: {  	s5 =	simm.s32 $0x0;
	s4 =	sand.u32 @!p1 $0xFFFF8, s3  }
0x217: {  	s0 =	simm.s32 $0xA178;
	s3 =	sand.u32 @!p1 $0x7, s3;
	s4 =	sadd.s32 @!p1 s1, s4  }
0x218: {  	[hbm4b:s4+s3] =	stream.linear.scatter @!p1 [tilespmem:s0], [sflag:$0x5], $0x40, $0x38;
	[tilespmem:$0x1EF88] =	vst v63  }
0x219: {  	s5 =	simm.s32 @!p1 $0x100;
	s3 =	simm.s32 $0x0;
	s4 =	simm.s32 $0xA11A  }
.LBB2_40:
0x21a: {  	v0 =	vld.msk [tilespmem:s4+$0x0], $0x1;
	s2 =	sadd.s32 $0xFFFFFFFF, s2;
	s3 =	sadd.s32 s3, s5  }
0x21b: {  	p1 =	sne.s32 s2, $0x0;
	_ =	sdelay $0x3  }
0x21c: {  	(v2sf) =	vpush v0, $0x0;
	_ =	sdelay $0xe  }
.Ltmp31:
0x21d: {  	s6 =	spop (v2sf);
	(pc) =	sbr.rel @p1 .LBB2_40-.Ltmp31, $4  }
0x21e: {  	s5 =	simm.s32 $0x0;
	p2 =	sgt.u32 s6, $0xC34F8  }
0x21f: {  	s0 =	sadd.s32 $0x40, s0;
	s5 =	simm.s32 @!p2 $0x100;
	s7 =	sand.u32 @!p2 $0xFFFF8, s6  }
0x220: {  	s4 =	sadd.s32 $0x1, s4;
	s6 =	sand.u32 @!p2 $0x7, s6;
	s7 =	sadd.s32 @!p2 s1, s7  }
0x221: {  	[hbm4b:s7+s6] =	stream.linear.scatter @!p2 [tilespmem:s0], [sflag:$0x5], $0x40, $0x38;
	[tilespmem:$0x1EF88] =	vst v63  }
.LBB2_41:
0x222: {  	s0 =	sadd.s32 s3, s5  }
0x223: {  	s0 =	sshrl.u32 s0, $0x2  }
.LBB2_42:
0x224: {  	s2 =	simm.s32 $0x5  }
0x225: {  	_ =	swait.ge [sflag:s2], s0  }
0x226: {  	s31 =	ssub.s32 $0x0, s0;
	[sflag:s2] =	ssyncset.done $0x0  }
0x227: {  	[sflag:s2] =	ssyncadd.s32 s31  }
0x228: {  	[sflag:s2] =	ssyncpa.u1 $0x1  }
.LBB2_43:
0x229: {  	s0 =	sor.u32 s13, s14  }
0x22a: {  	p1 =	sne.s32 s0, $0x0  }
.Ltmp32:
0x22b: {  	_ = 	snop;
	(pc) =	sbr.rel @p1 .LBB2_58-.Ltmp32, $3  }
0x22c: {  	_ =	sdelay $0x1  }
0x22d: {  	[bflag:$0x0] =	sbarrier.arrive $0xFFFF  }
0x22e: {  	_ =	sfence  }
0x22f: {  	s2 =	simm.s32 $0x7  }
0x230: {  	s0 =	simm.s32 $0x800;
	s3 =	simm.s32 $0xA118;
	[sflag:s2] =	ssyncpa.u1 $0x0  }
0x231: {  	[tilespmem:s3], [sflag:$0x7] =	stream.linear.gather [spmem:s0], $0x20, $0x38;
	[tilespmem:$0x1EF88] =	vst v63  }
0x232: {  	s30 =	simm.s32 $0xA138;
	s0 =	simm.s32 $0x0  }
0x233: {  	[tilespmem:s30], [sflag:$0x7] =	stream.linear.gather [spmem:s0], $0x800, $0x38;
	[tilespmem:$0x1EF88] =	vst v63  }
.Ltmp33:
0x234: {  	_ = 	snop;
	(pc) =	sbr.rel .LBB2_45-.Ltmp33, $4  }
0x235: {  	_ =	swait.ge [sflag:s2], $0x820  }
0x236: {  	[sflag:s2] =	ssyncset.done $0x0  }
0x237: {  	s31 =	simm.s32 $0x8;
	[sflag:s2] =	ssyncadd.s32 $0xFFFFF7E0  }
0x238: {  	s2 =	simm.s32 $0x0;
	[sflag:s31] =	ssyncpa.u1 $0x0  }
.LBB2_51:
0x239: {  	p1 =	slt.u32 s3, $0xC34F9  }
0x23a: {  	s4 =	sand.u32 @p1 $0xFFFF8, s3  }
0x23b: {  	s3 =	sand.u32 @p1 $0x7, s3;
	s5 =	simm.s32 @p1 $0xA0C8;
	s4 =	sadd.s32 @p1 s1, s4  }
0x23c: {  	[tilespmem:s5], [sflag:$0x8] =	stream.linear.gather @p1 [hbm4b:s4+s3], $0x40, $0x38;
	[tilespmem:$0x1EF88] =	vst v63  }
0x23d: {  	s3 =	simm.s32 @p1 $0x8  }
0x23e: {  	_ =	swait.ge @p1 [sflag:s3], $0x40  }
0x23f: {  	[sflag:s3] =	ssyncset.done @p1 $0x0  }
0x240: {  	[sflag:s3] =	ssyncadd.s32 @p1 $0xFFFFFFC0  }
0x241: {  	v1 =	vld @p1 [tilespmem:$0xA0C8];
	_ =	sdelay $0x2  }
0x242: {  	s3 =	sshll.u32 @p1 s2, $0x8  }
0x243: {  	s4 =	sshrl.u32 @p1 s3, $0x2  }
0x244: {  	[tilespmem:s4+$0xA138] =	vst.add.f32.msk @p1 $0xffff, v1  }
0x245: {  	v1 =	vld @p1 [tilespmem:$0xA0D8];
	_ =	sdelay $0x4  }
0x246: {  	[tilespmem:s4+$0xA148] =	vst.add.f32.msk @p1 $0xffff, v1  }
0x247: {  	v1 =	vld @p1 [tilespmem:$0xA0E8];
	_ =	sdelay $0x4  }
0x248: {  	[tilespmem:s4+$0xA158] =	vst.add.f32.msk @p1 $0xffff, v1  }
0x249: {  	v1 =	vld @p1 [tilespmem:$0xA0F8];
	_ =	sdelay $0x3  }
0x24a: {  	s5 =	sshll.u32 @!p1 s2, $0x8  }
0x24b: {  	s5 =	smov.u32 @p1 s3;
	[tilespmem:s4+$0xA168] =	vst.add.f32.msk @p1 $0xffff, v1  }
0x24c: {  	s3 =	sshrl.u32 s5, $0x2;
	[tilespmem:s0+$0xA118] =	vst.msk $0x1, v0  }
0x24d: {  	v0 =	vld [tilespmem:s3+$0xA138];
	_ =	sdelay $0x2  }
0x24e: {  	s31 =	sshll.u32 s0, $0x8  }
0x24f: {  	s4 =	sshra.s32 s31, $0x2  }
0x250: {  	[tilespmem:s4+$0xA138] =	vst v0  }
0x251: {  	v0 =	vld [tilespmem:s3+$0xA148];
	_ =	sdelay $0x4  }
0x252: {  	[tilespmem:s4+$0xA148] =	vst v0  }
0x253: {  	v0 =	vld [tilespmem:s3+$0xA158];
	_ =	sdelay $0x4  }
0x254: {  	[tilespmem:s4+$0xA158] =	vst v0  }
0x255: {  	v0 =	vld [tilespmem:s3+$0xA168];
	_ =	sdelay $0x4  }
0x256: {  	s0 =	sadd.s32 $0x1, s0;
	[tilespmem:s4+$0xA168] =	vst v0  }
.LBB2_52:
0x257: {  	s2 =	sadd.s32 $0x1, s2  }
0x258: {  	p1 =	sne.s32 s2, $0x20  }
.Ltmp34:
0x259: {  	_ = 	snop;
	(pc) =	sbr.rel @!p1 .LBB2_53-.Ltmp34, $1  }
0x25a: {  	_ =	sdelay $0x3  }
.LBB2_45:
0x25b: {  	v0 =	vld.msk [tilespmem:s2+$0xA118], $0x1;
	_ =	sdelay $0x4  }
0x25c: {  	(v2sf) =	vpush v0, $0x0;
	_ =	sdelay $0xe  }
0x25d: {  	s3 =	spop (v2sf)  }
0x25e: {  	p1 =	seq.s32 s3, $0xFFFFFFFF  }
.Ltmp35:
0x25f: {  	_ = 	snop;
	(pc) =	sbr.rel @p1 .LBB2_52-.Ltmp35, $1  }
0x260: {  	_ =	sdelay $0x3  }
0x261: {  	p1 =	slt.s32 s0, $0x1  }
.Ltmp36:
0x262: {  	_ = 	snop;
	(pc) =	sbr.rel @p1 .LBB2_51-.Ltmp36, $1  }
0x263: {  	_ =	sdelay $0x3  }
0x264: {  	s4 =	simm.s32 $0xA118;
	p1 =	por $0x0, $0x0  }
0x265: {  	v1 =	vld.msk @!p1 [tilespmem:s4+$0x0], $0x1;
	_ =	sdelay $0x4  }
0x266: {  	(v2sf) =	vpush @!p1 v1, $0x0;
	_ =	sdelay $0xd  }
0x267: {  	p3 =	sne.s32 s0, $0x1  }
.Ltmp37:
0x268: {  	s5 =	spop @!p1 (v2sf);
	(pc) =	sbr.rel @!p3 .LBB2_49-.Ltmp37, $4  }
0x269: {  	p2 =	seq.s32 @!p1 s3, s5  }
0x26a: {  	s5 =	simm.s32 $0x0;
	p2 =	por !p2, p1  }
0x26b: {  	s7 =	simm.s32 $0xFFFFFFFF;
	s5 =	simm.s32 @p2 $0xFFFFFFFF  }
0x26c: {  	s6 =	simm.s32 $0x1;
	s5 =	smov.u32 @p1 s7  }
.LBB2_48:
0x26d: {  	s7 =	smov.u32 s5;
	p1 =	sne.s32 s5, $0xFFFFFFFF  }
0x26e: {  	s4 =	sadd.s32 $0x1, s4;
	s5 =	smov.u32 s6;
	s6 =	sadd.s32 $0x1, s6  }
0x26f: {  	p2 =	sne.s32 s0, s6;
	v1 =	vld.msk @!p1 [tilespmem:s4+$0x0], $0x1;
	_ =	sdelay $0x4  }
0x270: {  	(v2sf) =	vpush @!p1 v1, $0x0;
	_ =	sdelay $0xe  }
.Ltmp38:
0x271: {  	s8 =	spop @!p1 (v2sf);
	(pc) =	sbr.rel @p2 .LBB2_48-.Ltmp38, $4  }
0x272: {  	p3 =	seq.s32 @!p1 s3, s8  }
0x273: {  	p3 =	por !p3, p1  }
0x274: {  	s5 =	simm.s32 @p3 $0xFFFFFFFF  }
0x275: {  	s5 =	smov.u32 @p1 s7  }
.LBB2_49:
0x276: {  	p1 =	seq.s32 s5, $0xFFFFFFFF  }
.Ltmp39:
0x277: {  	_ = 	snop;
	(pc) =	sbr.rel @p1 .LBB2_51-.Ltmp39, $1  }
0x278: {  	_ =	sdelay $0x3  }
0x279: {  	s3 =	sshll.u32 s2, $0x6  }
0x27a: {  	s3 =	sand.u32 $0x3FFFFFC0, s3  }
0x27b: {  	v0 =	vld [tilespmem:s3+$0xA138];
	_ =	sdelay $0x2  }
0x27c: {  	s4 =	sshll.u32 s5, $0x8  }
0x27d: {  	s4 =	sshra.s32 s4, $0x2  }
0x27e: {  	[tilespmem:s4+$0xA138] =	vst.add.f32.msk $0xffff, v0  }
0x27f: {  	v0 =	vld [tilespmem:s3+$0xA148];
	_ =	sdelay $0x4  }
0x280: {  	[tilespmem:s4+$0xA148] =	vst.add.f32.msk $0xffff, v0  }
0x281: {  	v0 =	vld [tilespmem:s3+$0xA158];
	_ =	sdelay $0x4  }
0x282: {  	[tilespmem:s4+$0xA158] =	vst.add.f32.msk $0xffff, v0  }
0x283: {  	v0 =	vld [tilespmem:s3+$0xA168]  }
.Ltmp40:
0x284: {  	_ = 	snop;
	(pc) =	sbr.rel .LBB2_52-.Ltmp40, $2  }
0x285: {  	_ =	sdelay $0x2  }
0x286: {  	[tilespmem:s4+$0xA168] =	vst.add.f32.msk $0xffff, v0  }
.LBB2_53:
0x287: {  	p1 =	slt.s32 s0, $0x1  }
.Ltmp41:
0x288: {  	_ = 	snop;
	(pc) =	sbr.rel @p1 .LBB2_57-.Ltmp41, $3  }
0x289: {  	_ =	sdelay $0x1  }
0x28a: {  	s2 =	simm.s32 $0x8  }
0x28b: {  	[sflag:s2] =	ssyncpa.u1 $0x1;
	s2 =	simm.s32 $0x0  }
0x28c: {  	s3 =	simm.s32 $0xA118  }
0x28d: {  	v0 =	vld.msk [tilespmem:s3+$0x0], $0x1;
	_ =	sdelay $0x4  }
0x28e: {  	(v2sf) =	vpush v0, $0x0;
	_ =	sdelay $0xe  }
0x28f: {  	s0 =	sadd.s32 $0xFFFFFFFF, s0;
	s4 =	spop (v2sf)  }
0x290: {  	p2 =	sne.s32 s0, $0x0;
	p1 =	sgt.u32 s4, $0xC34F8  }
.Ltmp42:
0x291: {  	s5 =	sand.u32 @!p1 $0xFFFF8, s4;
	(pc) =	sbr.rel @!p2 .LBB2_56-.Ltmp42, $4  }
0x292: {  	s3 =	simm.s32 $0xA138;
	s4 =	sand.u32 @!p1 $0x7, s4;
	s5 =	sadd.s32 @!p1 s1, s5  }
0x293: {  	[hbm4b:s5+s4] =	stream.linear.scatter @!p1 [tilespmem:s3], [sflag:$0x7], $0x40, $0x38;
	[tilespmem:$0x1EF88] =	vst v63  }
0x294: {  	s5 =	simm.s32 $0x0  }
0x295: {  	s4 =	simm.s32 $0xA119;
	s5 =	simm.s32 @!p1 $0x100  }
.LBB2_55:
0x296: {  	v0 =	vld.msk [tilespmem:s4+$0x0], $0x1;
	s0 =	sadd.s32 $0xFFFFFFFF, s0;
	s2 =	sadd.s32 s2, s5  }
0x297: {  	p1 =	sne.s32 s0, $0x0;
	_ =	sdelay $0x3  }
0x298: {  	(v2sf) =	vpush v0, $0x0;
	_ =	sdelay $0xe  }
.Ltmp43:
0x299: {  	s6 =	spop (v2sf);
	(pc) =	sbr.rel @p1 .LBB2_55-.Ltmp43, $4  }
0x29a: {  	s5 =	simm.s32 $0x0;
	p2 =	sgt.u32 s6, $0xC34F8  }
0x29b: {  	s3 =	sadd.s32 $0x40, s3;
	s5 =	simm.s32 @!p2 $0x100;
	s7 =	sand.u32 @!p2 $0xFFFF8, s6  }
0x29c: {  	s4 =	sadd.s32 $0x1, s4;
	s6 =	sand.u32 @!p2 $0x7, s6;
	s7 =	sadd.s32 @!p2 s1, s7  }
0x29d: {  	[hbm4b:s7+s6] =	stream.linear.scatter @!p2 [tilespmem:s3], [sflag:$0x7], $0x40, $0x38;
	[tilespmem:$0x1EF88] =	vst v63  }
.LBB2_56:
0x29e: {  	s0 =	sadd.s32 s2, s5  }
0x29f: {  	s2 =	sshrl.u32 s0, $0x2  }
.LBB2_57:
0x2a0: {  	s0 =	simm.s32 $0x7  }
0x2a1: {  	_ =	swait.ge [sflag:s0], s2  }
0x2a2: {  	s1 =	ssub.s32 $0x0, s2;
	[sflag:s0] =	ssyncset.done $0x0  }
0x2a3: {  	[sflag:s0] =	ssyncadd.s32 s1  }
0x2a4: {  	[sflag:s0] =	ssyncpa.u1 $0x1  }
.LBB2_58:
0x2a5: {  	_ =	sfence;
	s0 =	simm.s32 $0x1  }
0x2a6: {  	[sflag:s0] =	ssyncpa.u1 $0x1  }
0x2a7: {  	_ =	strace $0x9000004A  }
0x2a8: {  	[bflag:$0x2] =	sbarrier.arrive $0xFFFF  }
0x2a9: {  	s0 =	rddreg [dreg:$0x3]  }
0x2aa: {  	s0 =	sadd.s32 @!p0 $0x100000, s0  }
0x2ab: {  	[sflag:s0] =	ssyncadd.tile.s32 @!p0 $0x1;
	_ =	shalt  }
.Lfunc_end2:
_tile_overlayer_lowered:
.L_overlay_start_2:
0x2ac: {  	(tag) =	ssettag $0x2  }
0x2ad: {  	s0 =	rddreg [dreg:$0x0];
	s2 =	stileid.u32  }
0x2ae: {  	s1 =	rddreg [dreg:$0x1];
	p0 =	sne.s32 s2, $0x0  }
0x2af: {  	s3 =	rddreg [dreg:$0x2];
	[bflag:$0x3] =	sbarrier.arrive $0xFFFF;
	s2 =	simm.s32 @!p0 $0x1C01  }
0x2b0: {  	[timem:s3], [sflag:s2] =	dma.local @!p0 [hbm:s0], s1  }
0x2b1: {  	s0 =	simm.s32 @!p0 $0x1  }
0x2b2: {  	_ =	swait.ge @!p0 [sflag:s0], s1  }
0x2b3: {  	s1 =	ssub.s32 @!p0 $0x0, s1;
	[sflag:s0] =	ssyncset.done @!p0 $0x0  }
0x2b4: {  	[sflag:s0] =	ssyncadd.s32 @!p0 s1  }
0x2b5: {  	[bflag:$0x3] =	sbarrier.arrive $0xFFFF  }
0x2b6: {  	_ =	shalt  }

</sc_bundles>
